<compile_context>
chip_gen: v7x
topology: tpu7x:2x2x1
jax: 0.10.2.dev20260603
libtpu: 0.0.44.dev20260713+nightly
codegen_flags: <defaults>
</compile_context>

<pallas_src>
import functools

import jax
import jax.numpy as jnp
from jax import lax
from jax.experimental import pallas as pl
from jax.experimental.pallas import tpu as pltpu
from jax.experimental.pallas import tpu_sc as plsc

N = 6400000
NGROUPS = 64
ALPHA = 0.2
EMA_ALPHA = 0.1

NW = 32
PER_W = N // NW
BLK = 20000
NBLK = PER_W // BLK
NPAIR = NBLK // 2
UNROLL = 10
NBINS = NGROUPS * 16

_LOG1P_C = (
    0.9972848892211914, -0.44460397958755493, 0.14251798391342163,
)


def _sc_partials(x, y, gid):
    mesh = plsc.VectorSubcoreMesh(core_axis_name="c", subcore_axis_name="s")

    @functools.partial(
        pl.kernel,
        out_type=(
            jax.ShapeDtypeStruct((NW, NBINS), jnp.float32),
            jax.ShapeDtypeStruct((NW, NBINS), jnp.int32),
        ),
        mesh=mesh,
        compiler_params=pltpu.CompilerParams(needs_layout_passes=False),
        scratch_types=[
            pltpu.VMEM((BLK,), jnp.float32),
            pltpu.VMEM((BLK,), jnp.float32),
            pltpu.VMEM((BLK,), jnp.int32),
            pltpu.VMEM((BLK,), jnp.float32),
            pltpu.VMEM((BLK,), jnp.float32),
            pltpu.VMEM((BLK,), jnp.int32),
            pltpu.VMEM((NBINS,), jnp.float32),
            pltpu.VMEM((NBINS,), jnp.int32),
            pltpu.SemaphoreType.DMA,
            pltpu.SemaphoreType.DMA,
        ],
    )
    def k(x_hbm, y_hbm, g_hbm, out_l_hbm, out_p_hbm,
          xv0, yv0, gv0, xv1, yv1, gv1, acc_l, acc_p, sem0, sem1):
        wid = lax.axis_index("s") * 2 + lax.axis_index("c")
        base = wid * PER_W
        bufs = ((xv0, yv0, gv0, sem0), (xv1, yv1, gv1, sem1))
        zf = jnp.zeros((16,), jnp.float32)
        zi = jnp.zeros((16,), jnp.int32)

        def zero_body(j, carry):
            acc_l[pl.ds(j * 16, 16)] = zf
            acc_p[pl.ds(j * 16, 16)] = zi
            return carry

        lax.fori_loop(0, NBINS // 16, zero_body, 0)

        lane = lax.iota(jnp.int32, 16)

        def start(b, buf):
            xv, yv, gv, sem = buf
            off = base + b * BLK
            pltpu.async_copy(x_hbm.at[pl.ds(off, BLK)], xv, sem)
            pltpu.async_copy(y_hbm.at[pl.ds(off, BLK)], yv, sem)
            pltpu.async_copy(g_hbm.at[pl.ds(off, BLK)], gv, sem)

        def wait(buf):
            xv, yv, gv, sem = buf
            pltpu.make_async_copy(x_hbm.at[pl.ds(0, BLK)], xv, sem).wait()
            pltpu.make_async_copy(y_hbm.at[pl.ds(0, BLK)], yv, sem).wait()
            pltpu.make_async_copy(g_hbm.at[pl.ds(0, BLK)], gv, sem).wait()

        def one_vreg(xv, yv, gv, s):
            x16 = xv[pl.ds(s, 16)]
            y16 = yv[pl.ds(s, 16)]
            g16 = gv[pl.ds(s, 16)]
            ax = jnp.abs(x16)
            u = jnp.exp(-ax)
            p = jnp.full((16,), _LOG1P_C[2], jnp.float32)
            for c in (_LOG1P_C[1], _LOG1P_C[0]):
                p = p * u + c
            xt = x16 * (y16 - 0.5)
            bce = ax * 0.5 - xt + u * p
            idx = g16 * 16 + lane
            plsc.addupdate_scatter(acc_l, [idx], bce)
            packed = jnp.where(xt > 0.0, jnp.int32(65537), jnp.int32(65536))
            plsc.addupdate_scatter(acc_p, [idx], packed)

        def compute(buf):
            xv, yv, gv, _ = buf

            @plsc.parallel_loop(0, BLK // 16, unroll=UNROLL)
            def vec_body(j):
                one_vreg(xv, yv, gv, j * 16)

        start(0, bufs[0])
        start(1, bufs[1])

        def pair_body(k, carry):
            wait(bufs[0])
            compute(bufs[0])

            @pl.when(k + 1 < NPAIR)
            def _():
                start(2 * k + 2, bufs[0])

            wait(bufs[1])
            compute(bufs[1])

            @pl.when(k + 1 < NPAIR)
            def _():
                start(2 * k + 3, bufs[1])

            return carry

        lax.fori_loop(0, NPAIR, pair_body, 0)

        pltpu.sync_copy(acc_l, out_l_hbm.at[wid])
        pltpu.sync_copy(acc_p, out_p_hbm.at[wid])

    return k(x, y, gid)


def kernel(x, y, group_ids, h_fun, sum_losses, count_cat):
    out_l, out_p = _sc_partials(x, y, group_ids)

    group_loss = out_l.sum(axis=0).reshape(NGROUPS, 16).sum(axis=1)
    cnt_i = (out_p >> 16).sum(axis=0).reshape(NGROUPS, 16).sum(axis=1)
    cor_i = (out_p & 0xFFFF).sum(axis=0).reshape(NGROUPS, 16).sum(axis=1)
    group_counts = cnt_i.astype(jnp.float32)
    grp_correct = cor_i.astype(jnp.float32)

    acc = grp_correct / (group_counts + 1e-8)

    reduce_group_losses = group_loss / (group_counts + 1e-8)
    valid = reduce_group_losses != 0.0
    sum_losses = jnp.where(
        valid, sum_losses * (1.0 - EMA_ALPHA) + EMA_ALPHA * reduce_group_losses,
        sum_losses)
    count_cat = jnp.where(
        valid, count_cat * (1.0 - 0.05) + 0.05 * group_counts, count_cat)

    past_frac = count_cat / count_cat.sum()
    sort_id = jnp.argsort(-sum_losses)
    sorted_frac = past_frac[sort_id]
    cutoff = jnp.sum(jnp.cumsum(sorted_frac) < ALPHA)
    cutoff = jnp.where(cutoff == NGROUPS, NGROUPS - 1, cutoff)
    rank = jnp.arange(NGROUPS)
    h_sorted = jnp.where(rank < cutoff, 1.0 / ALPHA, 0.1)
    leftover_mass = 1.0 - jnp.sum(jnp.where(rank < cutoff, sorted_frac, 0.0)) / ALPHA
    tiebreak_fraction = leftover_mass / sorted_frac[cutoff]
    h_sorted = jnp.where(rank == cutoff, tiebreak_fraction, h_sorted)
    h_fun_new = jnp.zeros((NGROUPS,), dtype=jnp.float32).at[sort_id].set(h_sorted)

    loss = jnp.dot(group_loss, h_fun_new) / N
    return loss, acc

# --- scband reference (transcript-rebuilt; emitter-appended) ---
"""Pipeline reference for scband-greedy-group-dro-25623774888377 (READ-ONLY COPY).

The authoritative reference and input builder live on the scoring server;
editing this copy changes nothing except your own understanding.
"""

import jax, jax.numpy as jnp
import numpy as np

N = 6400000
N_GROUPS = 64
ALPHA = 0.2
EMA_ALPHA = 0.1


def setup_inputs(seed: int = 0):
    key = jax.random.key(seed)
    k1, k2, k3 = jax.random.split(key, 3)
    x = jax.random.normal(k1, (N,), dtype=jnp.float32)
    y = jax.random.uniform(k2, (N,), dtype=jnp.float32)
    group_ids = jax.random.randint(k3, (N,), 0, N_GROUPS, dtype=jnp.int32)
    h_fun = jnp.ones((N_GROUPS,), dtype=jnp.float32)
    sum_losses = jnp.zeros((N_GROUPS,), dtype=jnp.float32)
    count_cat = jnp.ones((N_GROUPS,), dtype=jnp.float32)
    return {"x": x, "y": y, "group_ids": group_ids, "h_fun": h_fun,
            "sum_losses": sum_losses, "count_cat": count_cat}


def _bce_with_logits(x, y):
    # numerically stable binary_cross_entropy_with_logits, reduction='none'
    return jnp.clip(x, 0.0, None) - x * y + jnp.log1p(jnp.exp(-jnp.abs(x)))


def _compute_binary_group_acc(x, y, clean_ids, n_groups):
    preds = (x > 0.0).astype(jnp.float32)  # sigmoid(x) > 0.5
    targets = (y > 0.5).astype(jnp.float32)
    correct = (preds == targets).astype(jnp.float32)
    grp_correct = jax.ops.segment_sum(correct, clean_ids, num_segments=n_groups)
    grp_count = jax.ops.segment_sum(jnp.ones_like(correct), clean_ids, num_segments=n_groups)
    return grp_correct / (grp_count + 1e-8)


def _forward(x, y, h_fun, sum_losses, count_cat, group_ids):
    ind_loss = _bce_with_logits(x, y)
    acc = _compute_binary_group_acc(x, y, group_ids, N_GROUPS)
    # compute_group_loss: scatter_add of losses and counts over groups
    group_loss = jax.ops.segment_sum(ind_loss, group_ids, num_segments=N_GROUPS)
    group_counts = jax.ops.segment_sum(jnp.ones_like(ind_loss), group_ids, num_segments=N_GROUPS)
    reduce_group_losses = group_loss / (group_counts + 1e-8)
    valid = reduce_group_losses != 0.0
    sum_losses = jnp.where(valid, sum_losses * (1.0 - EMA_ALPHA) + EMA_ALPHA * reduce_group_losses, sum_losses)
    count_cat = jnp.where(valid, count_cat * (1.0 - 0.05) + 0.05 * group_counts, count_cat)
    # update_mw
    past_frac = count_cat / count_cat.sum()
    sort_id = jnp.argsort(-sum_losses)  # descending sort of baselined losses
    sorted_frac = past_frac[sort_id]
    cutoff = jnp.sum(jnp.cumsum(sorted_frac) < ALPHA)
    cutoff = jnp.where(cutoff == N_GROUPS, N_GROUPS - 1, cutoff)
    rank = jnp.arange(N_GROUPS)
    h_sorted = jnp.where(rank < cutoff, 1.0 / ALPHA, 0.1)
    leftover_mass = 1.0 - jnp.sum(jnp.where(rank < cutoff, sorted_frac, 0.0)) / ALPHA
    tiebreak_fraction = leftover_mass / sorted_frac[cutoff]
    h_sorted = jnp.where(rank == cutoff, tiebreak_fraction, h_sorted)
    h_fun_new = jnp.zeros((N_GROUPS,), dtype=jnp.float32).at[sort_id].set(h_sorted)
    loss = jnp.mean(ind_loss * h_fun_new[group_ids])
    return loss, acc


def reference(x, y, group_ids, h_fun, sum_losses, count_cat):
    return _forward(x, y, h_fun, sum_losses, count_cat, group_ids)

if __name__ == "__main__":
    import jax
    _d = setup_inputs()
    print(jax.jit(kernel)(*tuple(_d.values())))

</pallas_src>

<mosaic_0001>
#map = affine_map<(d0, d1) -> (0)>
#map1 = affine_map<(d0, d1) -> (0, 0)>
module attributes {stable_mosaic.version = 14 : i64} {
  func.func @k(%arg0: i32, %arg1: i32, %arg2: memref<6400000xf32, #tpu.memory_space<hbm>>, %arg3: memref<6400000xf32, #tpu.memory_space<hbm>>, %arg4: memref<6400000xi32, #tpu.memory_space<hbm>>, %arg5: memref<32x1024xf32, #tpu.memory_space<hbm>>, %arg6: memref<32x1024xi32, #tpu.memory_space<hbm>>, %arg7: memref<20000xf32, #tpu.memory_space<vmem>>, %arg8: memref<20000xf32, #tpu.memory_space<vmem>>, %arg9: memref<20000xi32, #tpu.memory_space<vmem>>, %arg10: memref<20000xf32, #tpu.memory_space<vmem>>, %arg11: memref<20000xf32, #tpu.memory_space<vmem>>, %arg12: memref<20000xi32, #tpu.memory_space<vmem>>, %arg13: memref<1024xf32, #tpu.memory_space<vmem>>, %arg14: memref<1024xi32, #tpu.memory_space<vmem>>, %arg15: memref<!tpu.dma_semaphore, #tpu.memory_space<semaphore_mem>>, %arg16: memref<!tpu.dma_semaphore, #tpu.memory_space<semaphore_mem>>) attributes {dimension_semantics = [#tpu.dimension_semantics<core_parallel>, #tpu.dimension_semantics<subcore_parallel>], iteration_bounds = array<i64: 2, 16>, scalar_prefetch = 0 : i64, scratch_operands = 10 : i64, tpu.core_type = #tpu.core_type<sc_vector_subcore>, window_params = [{transform_indices = #map}, {transform_indices = #map}, {transform_indices = #map}, {transform_indices = #map1}, {transform_indices = #map1}]} {
    %mul3A = arith.constant 2 : i32
    %mul3A_0 = arith.muli %arg1, %mul3A : i32
    %add3A = arith.addi %mul3A_0, %arg0 : i32
    %mul3A_1 = arith.constant 200000 : i32
    %mul3A_2 = arith.muli %add3A, %mul3A_1 : i32
    %broadcast_in_dim3A = arith.constant 0.000000e+00 : f32
    %broadcast_in_dim3A_3 = vector.broadcast %broadcast_in_dim3A : f32 to vector<16xf32>
    %broadcast_in_dim3A_4 = arith.constant 0 : i32
    %broadcast_in_dim3A_5 = vector.broadcast %broadcast_in_dim3A_4 : i32 to vector<16xi32>
    %scan3A = arith.constant 0 : i32
    %scan3A_6 = arith.constant 0 : i32
    %scan3A_7 = arith.constant 64 : i32
    %scan3A_8 = arith.addi %scan3A_6, %scan3A_7 : i32
    %scan3A_9 = arith.constant 1 : i32
    scf.for %scan3A_32 = %scan3A_6 to %scan3A_8 step %scan3A_9  : i32 {
      %mul3A_33 = arith.constant 16 : i32
      %mul3A_34 = arith.muli %scan3A_32, %mul3A_33 : i32
      %swap3A = arith.index_cast %mul3A_34 : i32 to index
      %swap3A_35 = tpu.vector_load %arg13[%swap3A] {strides = array<i32>} : memref<1024xf32, #tpu.memory_space<vmem>>, vector<16xf32>,
      tpu.vector_store %arg13[%swap3A], %broadcast_in_dim3A_3 {strides = array<i32>} : memref<1024xf32, #tpu.memory_space<vmem>>, vector<16xf32>,
      %mul3A_36 = arith.constant 16 : i32
      %mul3A_37 = arith.muli %scan3A_32, %mul3A_36 : i32
      %swap3A_38 = arith.index_cast %mul3A_37 : i32 to index
      %swap3A_39 = tpu.vector_load %arg14[%swap3A_38] {strides = array<i32>} : memref<1024xi32, #tpu.memory_space<vmem>>, vector<16xi32>,
      tpu.vector_store %arg14[%swap3A_38], %broadcast_in_dim3A_5 {strides = array<i32>} : memref<1024xi32, #tpu.memory_space<vmem>>, vector<16xi32>,
    }
    %scan3A_10 = arith.constant 64 : i32
    %iota3A = tpu.iota {dimensions = array<i32: 0>} : vector<16xi32>
    %add3A_11 = arith.constant 0 : i32
    %add3A_12 = arith.addi %mul3A_2, %add3A_11 : i32
    %dma_start3A = tpu.memref_slice %arg2[%add3A_12] : memref<6400000xf32, #tpu.memory_space<hbm>> -> memref<20000xf32, #tpu.memory_space<hbm>>
    %dma_start3A_13 = tpu.memref_slice %arg2[%add3A_12] : memref<6400000xf32, #tpu.memory_space<hbm>> -> memref<20000xf32, #tpu.memory_space<hbm>>
    tpu.enqueue_dma source(%dma_start3A_13 : memref<20000xf32, #tpu.memory_space<hbm>>) target(%arg7 : memref<20000xf32, #tpu.memory_space<vmem>>) target_semaphore(%arg15 : memref<!tpu.dma_semaphore, #tpu.memory_space<semaphore_mem>>)
    %dma_start3A_14 = tpu.memref_slice %arg3[%add3A_12] : memref<6400000xf32, #tpu.memory_space<hbm>> -> memref<20000xf32, #tpu.memory_space<hbm>>
    %dma_start3A_15 = tpu.memref_slice %arg3[%add3A_12] : memref<6400000xf32, #tpu.memory_space<hbm>> -> memref<20000xf32, #tpu.memory_space<hbm>>
    tpu.enqueue_dma source(%dma_start3A_15 : memref<20000xf32, #tpu.memory_space<hbm>>) target(%arg8 : memref<20000xf32, #tpu.memory_space<vmem>>) target_semaphore(%arg15 : memref<!tpu.dma_semaphore, #tpu.memory_space<semaphore_mem>>)
    %dma_start3A_16 = tpu.memref_slice %arg4[%add3A_12] : memref<6400000xi32, #tpu.memory_space<hbm>> -> memref<20000xi32, #tpu.memory_space<hbm>>
    %dma_start3A_17 = tpu.memref_slice %arg4[%add3A_12] : memref<6400000xi32, #tpu.memory_space<hbm>> -> memref<20000xi32, #tpu.memory_space<hbm>>
    tpu.enqueue_dma source(%dma_start3A_17 : memref<20000xi32, #tpu.memory_space<hbm>>) target(%arg9 : memref<20000xi32, #tpu.memory_space<vmem>>) target_semaphore(%arg15 : memref<!tpu.dma_semaphore, #tpu.memory_space<semaphore_mem>>)
    %add3A_18 = arith.constant 20000 : i32
    %add3A_19 = arith.addi %mul3A_2, %add3A_18 : i32
    %dma_start3A_20 = tpu.memref_slice %arg2[%add3A_19] : memref<6400000xf32, #tpu.memory_space<hbm>> -> memref<20000xf32, #tpu.memory_space<hbm>>
    %dma_start3A_21 = tpu.memref_slice %arg2[%add3A_19] : memref<6400000xf32, #tpu.memory_space<hbm>> -> memref<20000xf32, #tpu.memory_space<hbm>>
    tpu.enqueue_dma source(%dma_start3A_21 : memref<20000xf32, #tpu.memory_space<hbm>>) target(%arg10 : memref<20000xf32, #tpu.memory_space<vmem>>) target_semaphore(%arg16 : memref<!tpu.dma_semaphore, #tpu.memory_space<semaphore_mem>>)
    %dma_start3A_22 = tpu.memref_slice %arg3[%add3A_19] : memref<6400000xf32, #tpu.memory_space<hbm>> -> memref<20000xf32, #tpu.memory_space<hbm>>
    %dma_start3A_23 = tpu.memref_slice %arg3[%add3A_19] : memref<6400000xf32, #tpu.memory_space<hbm>> -> memref<20000xf32, #tpu.memory_space<hbm>>
    tpu.enqueue_dma source(%dma_start3A_23 : memref<20000xf32, #tpu.memory_space<hbm>>) target(%arg11 : memref<20000xf32, #tpu.memory_space<vmem>>) target_semaphore(%arg16 : memref<!tpu.dma_semaphore, #tpu.memory_space<semaphore_mem>>)
    %dma_start3A_24 = tpu.memref_slice %arg4[%add3A_19] : memref<6400000xi32, #tpu.memory_space<hbm>> -> memref<20000xi32, #tpu.memory_space<hbm>>
    %dma_start3A_25 = tpu.memref_slice %arg4[%add3A_19] : memref<6400000xi32, #tpu.memory_space<hbm>> -> memref<20000xi32, #tpu.memory_space<hbm>>
    tpu.enqueue_dma source(%dma_start3A_25 : memref<20000xi32, #tpu.memory_space<hbm>>) target(%arg12 : memref<20000xi32, #tpu.memory_space<vmem>>) target_semaphore(%arg16 : memref<!tpu.dma_semaphore, #tpu.memory_space<semaphore_mem>>)
    %scan3A_26 = arith.constant 0 : i32
    %scan3A_27 = arith.constant 0 : i32
    %scan3A_28 = arith.constant 5 : i32
    %scan3A_29 = arith.addi %scan3A_27, %scan3A_28 : i32
    %scan3A_30 = arith.constant 1 : i32
    scf.for %scan3A_32 = %scan3A_27 to %scan3A_29 step %scan3A_30  : i32 {
      %dma_wait3A = arith.constant 0 : i32
      %dma_wait3A_33 = tpu.memref_slice %arg2[%dma_wait3A] : memref<6400000xf32, #tpu.memory_space<hbm>> -> memref<20000xf32, #tpu.memory_space<hbm>>
      %dma_wait3A_34 = arith.constant 0 : i32
      %dma_wait3A_35 = tpu.memref_slice %arg2[%dma_wait3A_34] : memref<6400000xf32, #tpu.memory_space<hbm>> -> memref<20000xf32, #tpu.memory_space<hbm>>
      tpu.wait_dma2 semaphore(%arg15 : memref<!tpu.dma_semaphore, #tpu.memory_space<semaphore_mem>>) src(%dma_wait3A_35 : memref<20000xf32, #tpu.memory_space<hbm>>) dst(%arg7 : memref<20000xf32, #tpu.memory_space<vmem>>)
      %dma_wait3A_36 = arith.constant 0 : i32
      %dma_wait3A_37 = tpu.memref_slice %arg3[%dma_wait3A_36] : memref<6400000xf32, #tpu.memory_space<hbm>> -> memref<20000xf32, #tpu.memory_space<hbm>>
      %dma_wait3A_38 = arith.constant 0 : i32
      %dma_wait3A_39 = tpu.memref_slice %arg3[%dma_wait3A_38] : memref<6400000xf32, #tpu.memory_space<hbm>> -> memref<20000xf32, #tpu.memory_space<hbm>>
      tpu.wait_dma2 semaphore(%arg15 : memref<!tpu.dma_semaphore, #tpu.memory_space<semaphore_mem>>) src(%dma_wait3A_39 : memref<20000xf32, #tpu.memory_space<hbm>>) dst(%arg8 : memref<20000xf32, #tpu.memory_space<vmem>>)
      %dma_wait3A_40 = arith.constant 0 : i32
      %dma_wait3A_41 = tpu.memref_slice %arg4[%dma_wait3A_40] : memref<6400000xi32, #tpu.memory_space<hbm>> -> memref<20000xi32, #tpu.memory_space<hbm>>
      %dma_wait3A_42 = arith.constant 0 : i32
      %dma_wait3A_43 = tpu.memref_slice %arg4[%dma_wait3A_42] : memref<6400000xi32, #tpu.memory_space<hbm>> -> memref<20000xi32, #tpu.memory_space<hbm>>
      tpu.wait_dma2 semaphore(%arg15 : memref<!tpu.dma_semaphore, #tpu.memory_space<semaphore_mem>>) src(%dma_wait3A_43 : memref<20000xi32, #tpu.memory_space<hbm>>) dst(%arg9 : memref<20000xi32, #tpu.memory_space<vmem>>)
      %parallel_loop3A = arith.constant 0 : i32
      %parallel_loop3A_44 = arith.constant 1250 : i32
      %parallel_loop3A_45 = arith.constant 1 : i32
      scf.for %parallel_loop3A_72 = %parallel_loop3A to %parallel_loop3A_44 step %parallel_loop3A_45  : i32 {
        %parallel_loop3A_73 = arith.constant 16 : i32
        %parallel_loop3A_74 = arith.muli %parallel_loop3A_72, %parallel_loop3A_73 : i32
        %parallel_loop3A_75 = arith.index_cast %parallel_loop3A_74 : i32 to index
        %parallel_loop3A_76 = tpu.vector_load %arg7[%parallel_loop3A_75] {strides = array<i32>} : memref<20000xf32, #tpu.memory_space<vmem>>, vector<16xf32>,
        %parallel_loop3A_77 = arith.index_cast %parallel_loop3A_74 : i32 to index
        %parallel_loop3A_78 = tpu.vector_load %arg8[%parallel_loop3A_77] {strides = array<i32>} : memref<20000xf32, #tpu.memory_space<vmem>>, vector<16xf32>,
        %parallel_loop3A_79 = arith.index_cast %parallel_loop3A_74 : i32 to index
        %parallel_loop3A_80 = tpu.vector_load %arg9[%parallel_loop3A_79] {strides = array<i32>} : memref<20000xi32, #tpu.memory_space<vmem>>, vector<16xi32>,
        %parallel_loop3A_81 = math.absf %parallel_loop3A_76 : vector<16xf32>
        %parallel_loop3A_82 = arith.constant 0.000000e+00 : f32
        %parallel_loop3A_83 = vector.broadcast %parallel_loop3A_82 : f32 to vector<16xf32>
        %parallel_loop3A_84 = arith.subf %parallel_loop3A_83, %parallel_loop3A_81 : vector<16xf32>
        %parallel_loop3A_85 = math.exp %parallel_loop3A_84 : vector<16xf32>
        %parallel_loop3A_86 = arith.constant 0.142517984 : f32
        %parallel_loop3A_87 = vector.broadcast %parallel_loop3A_86 : f32 to vector<16xf32>
        %parallel_loop3A_88 = arith.mulf %parallel_loop3A_87, %parallel_loop3A_85 : vector<16xf32>
        %parallel_loop3A_89 = arith.constant -0.44460398 : f32
        %parallel_loop3A_90 = vector.broadcast %parallel_loop3A_89 : f32 to vector<16xf32>
        %parallel_loop3A_91 = arith.addf %parallel_loop3A_88, %parallel_loop3A_90 : vector<16xf32>
        %parallel_loop3A_92 = arith.mulf %parallel_loop3A_91, %parallel_loop3A_85 : vector<16xf32>
        %parallel_loop3A_93 = arith.constant 0.997284889 : f32
        %parallel_loop3A_94 = vector.broadcast %parallel_loop3A_93 : f32 to vector<16xf32>
        %parallel_loop3A_95 = arith.addf %parallel_loop3A_92, %parallel_loop3A_94 : vector<16xf32>
        %parallel_loop3A_96 = arith.constant 5.000000e-01 : f32
        %parallel_loop3A_97 = vector.broadcast %parallel_loop3A_96 : f32 to vector<16xf32>
        %parallel_loop3A_98 = arith.subf %parallel_loop3A_78, %parallel_loop3A_97 : vector<16xf32>
        %parallel_loop3A_99 = arith.mulf %parallel_loop3A_76, %parallel_loop3A_98 : vector<16xf32>
        %parallel_loop3A_100 = arith.constant 5.000000e-01 : f32
        %parallel_loop3A_101 = vector.broadcast %parallel_loop3A_100 : f32 to vector<16xf32>
        %parallel_loop3A_102 = arith.mulf %parallel_loop3A_81, %parallel_loop3A_101 : vector<16xf32>
        %parallel_loop3A_103 = arith.subf %parallel_loop3A_102, %parallel_loop3A_99 : vector<16xf32>
        %parallel_loop3A_104 = arith.mulf %parallel_loop3A_85, %parallel_loop3A_95 : vector<16xf32>
        %parallel_loop3A_105 = arith.addf %parallel_loop3A_103, %parallel_loop3A_104 : vector<16xf32>
        %parallel_loop3A_106 = arith.constant 16 : i32
        %parallel_loop3A_107 = vector.broadcast %parallel_loop3A_106 : i32 to vector<16xi32>
        %parallel_loop3A_108 = arith.muli %parallel_loop3A_80, %parallel_loop3A_107 : vector<16xi32>
        %parallel_loop3A_109 = arith.addi %parallel_loop3A_108, %iota3A : vector<16xi32>
        tpu.vector_store_idx %arg13[%parallel_loop3A_109], %parallel_loop3A_105 {add = true} : memref<1024xf32, #tpu.memory_space<vmem>>[vector<16xi32>], vector<16xf32>,
        %parallel_loop3A_110 = arith.constant 0.000000e+00 : f32
        %parallel_loop3A_111 = vector.broadcast %parallel_loop3A_110 : f32 to vector<16xf32>
        %parallel_loop3A_112 = arith.cmpf ogt, %parallel_loop3A_99, %parallel_loop3A_111 : vector<16xf32>
        %parallel_loop3A_113 = arith.constant 65537 : i32
        %parallel_loop3A_114 = arith.constant 65536 : i32
        %parallel_loop3A_115 = vector.broadcast %parallel_loop3A_113 : i32 to vector<16xi32>
        %parallel_loop3A_116 = vector.broadcast %parallel_loop3A_114 : i32 to vector<16xi32>
        %parallel_loop3A_117 = arith.select %parallel_loop3A_112, %parallel_loop3A_115, %parallel_loop3A_116 : vector<16xi1>, vector<16xi32>
        tpu.vector_store_idx %arg14[%parallel_loop3A_109], %parallel_loop3A_117 {add = true} : memref<1024xi32, #tpu.memory_space<vmem>>[vector<16xi32>], vector<16xi32>,
      } {sc.loop_unroll_factor = 10 : i64, sc.parallel_access}
      %add3A_46 = arith.constant 1 : i32
      %add3A_47 = arith.addi %scan3A_32, %add3A_46 : i32
      %lt3A = arith.constant 5 : i32
      %lt3A_48 = arith.cmpi slt, %add3A_47, %lt3A : i32
      %convert_element_type3A = arith.extui %lt3A_48 : i1 to i32
      %cond3A = arith.constant 0 : i32
      %cond3A_49 = arith.cmpi ne, %convert_element_type3A, %cond3A : i32
      scf.if %cond3A_49 {
        %mul3A_72 = arith.constant 2 : i32
        %mul3A_73 = arith.muli %mul3A_72, %scan3A_32 : i32
        %add3A_74 = arith.constant 2 : i32
        %add3A_75 = arith.addi %mul3A_73, %add3A_74 : i32
        %mul3A_76 = arith.constant 20000 : i32
        %mul3A_77 = arith.muli %add3A_75, %mul3A_76 : i32
        %add3A_78 = arith.addi %mul3A_2, %mul3A_77 : i32
        %dma_start3A_79 = tpu.memref_slice %arg2[%add3A_78] : memref<6400000xf32, #tpu.memory_space<hbm>> -> memref<20000xf32, #tpu.memory_space<hbm>>
        %dma_start3A_80 = tpu.memref_slice %arg2[%add3A_78] : memref<6400000xf32, #tpu.memory_space<hbm>> -> memref<20000xf32, #tpu.memory_space<hbm>>
        tpu.enqueue_dma source(%dma_start3A_80 : memref<20000xf32, #tpu.memory_space<hbm>>) target(%arg7 : memref<20000xf32, #tpu.memory_space<vmem>>) target_semaphore(%arg15 : memref<!tpu.dma_semaphore, #tpu.memory_space<semaphore_mem>>)
        %dma_start3A_81 = tpu.memref_slice %arg3[%add3A_78] : memref<6400000xf32, #tpu.memory_space<hbm>> -> memref<20000xf32, #tpu.memory_space<hbm>>
        %dma_start3A_82 = tpu.memref_slice %arg3[%add3A_78] : memref<6400000xf32, #tpu.memory_space<hbm>> -> memref<20000xf32, #tpu.memory_space<hbm>>
        tpu.enqueue_dma source(%dma_start3A_82 : memref<20000xf32, #tpu.memory_space<hbm>>) target(%arg8 : memref<20000xf32, #tpu.memory_space<vmem>>) target_semaphore(%arg15 : memref<!tpu.dma_semaphore, #tpu.memory_space<semaphore_mem>>)
        %dma_start3A_83 = tpu.memref_slice %arg4[%add3A_78] : memref<6400000xi32, #tpu.memory_space<hbm>> -> memref<20000xi32, #tpu.memory_space<hbm>>
        %dma_start3A_84 = tpu.memref_slice %arg4[%add3A_78] : memref<6400000xi32, #tpu.memory_space<hbm>> -> memref<20000xi32, #tpu.memory_space<hbm>>
        tpu.enqueue_dma source(%dma_start3A_84 : memref<20000xi32, #tpu.memory_space<hbm>>) target(%arg9 : memref<20000xi32, #tpu.memory_space<vmem>>) target_semaphore(%arg15 : memref<!tpu.dma_semaphore, #tpu.memory_space<semaphore_mem>>)
      } else {
      }
      %dma_wait3A_50 = arith.constant 0 : i32
      %dma_wait3A_51 = tpu.memref_slice %arg2[%dma_wait3A_50] : memref<6400000xf32, #tpu.memory_space<hbm>> -> memref<20000xf32, #tpu.memory_space<hbm>>
      %dma_wait3A_52 = arith.constant 0 : i32
      %dma_wait3A_53 = tpu.memref_slice %arg2[%dma_wait3A_52] : memref<6400000xf32, #tpu.memory_space<hbm>> -> memref<20000xf32, #tpu.memory_space<hbm>>
      tpu.wait_dma2 semaphore(%arg16 : memref<!tpu.dma_semaphore, #tpu.memory_space<semaphore_mem>>) src(%dma_wait3A_53 : memref<20000xf32, #tpu.memory_space<hbm>>) dst(%arg10 : memref<20000xf32, #tpu.memory_space<vmem>>)
      %dma_wait3A_54 = arith.constant 0 : i32
      %dma_wait3A_55 = tpu.memref_slice %arg3[%dma_wait3A_54] : memref<6400000xf32, #tpu.memory_space<hbm>> -> memref<20000xf32, #tpu.memory_space<hbm>>
      %dma_wait3A_56 = arith.constant 0 : i32
      %dma_wait3A_57 = tpu.memref_slice %arg3[%dma_wait3A_56] : memref<6400000xf32, #tpu.memory_space<hbm>> -> memref<20000xf32, #tpu.memory_space<hbm>>
      tpu.wait_dma2 semaphore(%arg16 : memref<!tpu.dma_semaphore, #tpu.memory_space<semaphore_mem>>) src(%dma_wait3A_57 : memref<20000xf32, #tpu.memory_space<hbm>>) dst(%arg11 : memref<20000xf32, #tpu.memory_space<vmem>>)
      %dma_wait3A_58 = arith.constant 0 : i32
      %dma_wait3A_59 = tpu.memref_slice %arg4[%dma_wait3A_58] : memref<6400000xi32, #tpu.memory_space<hbm>> -> memref<20000xi32, #tpu.memory_space<hbm>>
      %dma_wait3A_60 = arith.constant 0 : i32
      %dma_wait3A_61 = tpu.memref_slice %arg4[%dma_wait3A_60] : memref<6400000xi32, #tpu.memory_space<hbm>> -> memref<20000xi32, #tpu.memory_space<hbm>>
      tpu.wait_dma2 semaphore(%arg16 : memref<!tpu.dma_semaphore, #tpu.memory_space<semaphore_mem>>) src(%dma_wait3A_61 : memref<20000xi32, #tpu.memory_space<hbm>>) dst(%arg12 : memref<20000xi32, #tpu.memory_space<vmem>>)
      %parallel_loop3A_62 = arith.constant 0 : i32
      %parallel_loop3A_63 = arith.constant 1250 : i32
      %parallel_loop3A_64 = arith.constant 1 : i32
      scf.for %parallel_loop3A_72 = %parallel_loop3A_62 to %parallel_loop3A_63 step %parallel_loop3A_64  : i32 {
        %parallel_loop3A_73 = arith.constant 16 : i32
        %parallel_loop3A_74 = arith.muli %parallel_loop3A_72, %parallel_loop3A_73 : i32
        %parallel_loop3A_75 = arith.index_cast %parallel_loop3A_74 : i32 to index
        %parallel_loop3A_76 = tpu.vector_load %arg10[%parallel_loop3A_75] {strides = array<i32>} : memref<20000xf32, #tpu.memory_space<vmem>>, vector<16xf32>,
        %parallel_loop3A_77 = arith.index_cast %parallel_loop3A_74 : i32 to index
        %parallel_loop3A_78 = tpu.vector_load %arg11[%parallel_loop3A_77] {strides = array<i32>} : memref<20000xf32, #tpu.memory_space<vmem>>, vector<16xf32>,
        %parallel_loop3A_79 = arith.index_cast %parallel_loop3A_74 : i32 to index
        %parallel_loop3A_80 = tpu.vector_load %arg12[%parallel_loop3A_79] {strides = array<i32>} : memref<20000xi32, #tpu.memory_space<vmem>>, vector<16xi32>,
        %parallel_loop3A_81 = math.absf %parallel_loop3A_76 : vector<16xf32>
        %parallel_loop3A_82 = arith.constant 0.000000e+00 : f32
        %parallel_loop3A_83 = vector.broadcast %parallel_loop3A_82 : f32 to vector<16xf32>
        %parallel_loop3A_84 = arith.subf %parallel_loop3A_83, %parallel_loop3A_81 : vector<16xf32>
        %parallel_loop3A_85 = math.exp %parallel_loop3A_84 : vector<16xf32>
        %parallel_loop3A_86 = arith.constant 0.142517984 : f32
        %parallel_loop3A_87 = vector.broadcast %parallel_loop3A_86 : f32 to vector<16xf32>
        %parallel_loop3A_88 = arith.mulf %parallel_loop3A_87, %parallel_loop3A_85 : vector<16xf32>
        %parallel_loop3A_89 = arith.constant -0.44460398 : f32
        %parallel_loop3A_90 = vector.broadcast %parallel_loop3A_89 : f32 to vector<16xf32>
        %parallel_loop3A_91 = arith.addf %parallel_loop3A_88, %parallel_loop3A_90 : vector<16xf32>
        %parallel_loop3A_92 = arith.mulf %parallel_loop3A_91, %parallel_loop3A_85 : vector<16xf32>
        %parallel_loop3A_93 = arith.constant 0.997284889 : f32
        %parallel_loop3A_94 = vector.broadcast %parallel_loop3A_93 : f32 to vector<16xf32>
        %parallel_loop3A_95 = arith.addf %parallel_loop3A_92, %parallel_loop3A_94 : vector<16xf32>
        %parallel_loop3A_96 = arith.constant 5.000000e-01 : f32
        %parallel_loop3A_97 = vector.broadcast %parallel_loop3A_96 : f32 to vector<16xf32>
        %parallel_loop3A_98 = arith.subf %parallel_loop3A_78, %parallel_loop3A_97 : vector<16xf32>
        %parallel_loop3A_99 = arith.mulf %parallel_loop3A_76, %parallel_loop3A_98 : vector<16xf32>
        %parallel_loop3A_100 = arith.constant 5.000000e-01 : f32
        %parallel_loop3A_101 = vector.broadcast %parallel_loop3A_100 : f32 to vector<16xf32>
        %parallel_loop3A_102 = arith.mulf %parallel_loop3A_81, %parallel_loop3A_101 : vector<16xf32>
        %parallel_loop3A_103 = arith.subf %parallel_loop3A_102, %parallel_loop3A_99 : vector<16xf32>
        %parallel_loop3A_104 = arith.mulf %parallel_loop3A_85, %parallel_loop3A_95 : vector<16xf32>
        %parallel_loop3A_105 = arith.addf %parallel_loop3A_103, %parallel_loop3A_104 : vector<16xf32>
        %parallel_loop3A_106 = arith.constant 16 : i32
        %parallel_loop3A_107 = vector.broadcast %parallel_loop3A_106 : i32 to vector<16xi32>
        %parallel_loop3A_108 = arith.muli %parallel_loop3A_80, %parallel_loop3A_107 : vector<16xi32>
        %parallel_loop3A_109 = arith.addi %parallel_loop3A_108, %iota3A : vector<16xi32>
        tpu.vector_store_idx %arg13[%parallel_loop3A_109], %parallel_loop3A_105 {add = true} : memref<1024xf32, #tpu.memory_space<vmem>>[vector<16xi32>], vector<16xf32>,
        %parallel_loop3A_110 = arith.constant 0.000000e+00 : f32
        %parallel_loop3A_111 = vector.broadcast %parallel_loop3A_110 : f32 to vector<16xf32>
        %parallel_loop3A_112 = arith.cmpf ogt, %parallel_loop3A_99, %parallel_loop3A_111 : vector<16xf32>
        %parallel_loop3A_113 = arith.constant 65537 : i32
        %parallel_loop3A_114 = arith.constant 65536 : i32
        %parallel_loop3A_115 = vector.broadcast %parallel_loop3A_113 : i32 to vector<16xi32>
        %parallel_loop3A_116 = vector.broadcast %parallel_loop3A_114 : i32 to vector<16xi32>
        %parallel_loop3A_117 = arith.select %parallel_loop3A_112, %parallel_loop3A_115, %parallel_loop3A_116 : vector<16xi1>, vector<16xi32>
        tpu.vector_store_idx %arg14[%parallel_loop3A_109], %parallel_loop3A_117 {add = true} : memref<1024xi32, #tpu.memory_space<vmem>>[vector<16xi32>], vector<16xi32>,
      } {sc.loop_unroll_factor = 10 : i64, sc.parallel_access}
      %add3A_65 = arith.constant 1 : i32
      %add3A_66 = arith.addi %scan3A_32, %add3A_65 : i32
      %lt3A_67 = arith.constant 5 : i32
      %lt3A_68 = arith.cmpi slt, %add3A_66, %lt3A_67 : i32
      %convert_element_type3A_69 = arith.extui %lt3A_68 : i1 to i32
      %cond3A_70 = arith.constant 0 : i32
      %cond3A_71 = arith.cmpi ne, %convert_element_type3A_69, %cond3A_70 : i32
      scf.if %cond3A_71 {
        %mul3A_72 = arith.constant 2 : i32
        %mul3A_73 = arith.muli %mul3A_72, %scan3A_32 : i32
        %add3A_74 = arith.constant 3 : i32
        %add3A_75 = arith.addi %mul3A_73, %add3A_74 : i32
        %mul3A_76 = arith.constant 20000 : i32
        %mul3A_77 = arith.muli %add3A_75, %mul3A_76 : i32
        %add3A_78 = arith.addi %mul3A_2, %mul3A_77 : i32
        %dma_start3A_79 = tpu.memref_slice %arg2[%add3A_78] : memref<6400000xf32, #tpu.memory_space<hbm>> -> memref<20000xf32, #tpu.memory_space<hbm>>
        %dma_start3A_80 = tpu.memref_slice %arg2[%add3A_78] : memref<6400000xf32, #tpu.memory_space<hbm>> -> memref<20000xf32, #tpu.memory_space<hbm>>
        tpu.enqueue_dma source(%dma_start3A_80 : memref<20000xf32, #tpu.memory_space<hbm>>) target(%arg10 : memref<20000xf32, #tpu.memory_space<vmem>>) target_semaphore(%arg16 : memref<!tpu.dma_semaphore, #tpu.memory_space<semaphore_mem>>)
        %dma_start3A_81 = tpu.memref_slice %arg3[%add3A_78] : memref<6400000xf32, #tpu.memory_space<hbm>> -> memref<20000xf32, #tpu.memory_space<hbm>>
        %dma_start3A_82 = tpu.memref_slice %arg3[%add3A_78] : memref<6400000xf32, #tpu.memory_space<hbm>> -> memref<20000xf32, #tpu.memory_space<hbm>>
        tpu.enqueue_dma source(%dma_start3A_82 : memref<20000xf32, #tpu.memory_space<hbm>>) target(%arg11 : memref<20000xf32, #tpu.memory_space<vmem>>) target_semaphore(%arg16 : memref<!tpu.dma_semaphore, #tpu.memory_space<semaphore_mem>>)
        %dma_start3A_83 = tpu.memref_slice %arg4[%add3A_78] : memref<6400000xi32, #tpu.memory_space<hbm>> -> memref<20000xi32, #tpu.memory_space<hbm>>
        %dma_start3A_84 = tpu.memref_slice %arg4[%add3A_78] : memref<6400000xi32, #tpu.memory_space<hbm>> -> memref<20000xi32, #tpu.memory_space<hbm>>
        tpu.enqueue_dma source(%dma_start3A_84 : memref<20000xi32, #tpu.memory_space<hbm>>) target(%arg12 : memref<20000xi32, #tpu.memory_space<vmem>>) target_semaphore(%arg16 : memref<!tpu.dma_semaphore, #tpu.memory_space<semaphore_mem>>)
      } else {
      }
    }
    %scan3A_31 = arith.constant 5 : i32
    "tpu.region"() ({
      %run_scoped3A = tpu.sem_alloc : memref<!tpu.dma_semaphore, #tpu.memory_space<semaphore_mem>>
      %dma_start3A_32 = arith.constant 0 : i32
      %dma_start3A_33 = tpu.memref_slice %arg5[%add3A, %dma_start3A_32] : memref<32x1024xf32, #tpu.memory_space<hbm>> -> memref<1x1024xf32, #tpu.memory_space<hbm>>
      %dma_start3A_34 = tpu.memref_squeeze %dma_start3A_33 : memref<1x1024xf32, #tpu.memory_space<hbm>> -> memref<1024xf32, #tpu.memory_space<hbm>>
      %dma_start3A_35 = arith.constant 0 : i32
      %dma_start3A_36 = tpu.memref_slice %arg5[%add3A, %dma_start3A_35] : memref<32x1024xf32, #tpu.memory_space<hbm>> -> memref<1x1024xf32, #tpu.memory_space<hbm>>
      %dma_start3A_37 = tpu.memref_squeeze %dma_start3A_36 : memref<1x1024xf32, #tpu.memory_space<hbm>> -> memref<1024xf32, #tpu.memory_space<hbm>>
      tpu.enqueue_dma source(%arg13 : memref<1024xf32, #tpu.memory_space<vmem>>) target(%dma_start3A_37 : memref<1024xf32, #tpu.memory_space<hbm>>) target_semaphore(%run_scoped3A : memref<!tpu.dma_semaphore, #tpu.memory_space<semaphore_mem>>)
      %dma_wait3A = arith.constant 0 : i32
      %dma_wait3A_38 = tpu.memref_slice %arg5[%add3A, %dma_wait3A] : memref<32x1024xf32, #tpu.memory_space<hbm>> -> memref<1x1024xf32, #tpu.memory_space<hbm>>
      %dma_wait3A_39 = tpu.memref_squeeze %dma_wait3A_38 : memref<1x1024xf32, #tpu.memory_space<hbm>> -> memref<1024xf32, #tpu.memory_space<hbm>>
      %dma_wait3A_40 = arith.constant 0 : i32
      %dma_wait3A_41 = tpu.memref_slice %arg5[%add3A, %dma_wait3A_40] : memref<32x1024xf32, #tpu.memory_space<hbm>> -> memref<1x1024xf32, #tpu.memory_space<hbm>>
      %dma_wait3A_42 = tpu.memref_squeeze %dma_wait3A_41 : memref<1x1024xf32, #tpu.memory_space<hbm>> -> memref<1024xf32, #tpu.memory_space<hbm>>
      tpu.wait_dma2 semaphore(%run_scoped3A : memref<!tpu.dma_semaphore, #tpu.memory_space<semaphore_mem>>) src(%arg13 : memref<1024xf32, #tpu.memory_space<vmem>>) dst(%dma_wait3A_42 : memref<1024xf32, #tpu.memory_space<hbm>>)
      tpu.yield
    }) : () -> ()
    "tpu.region"() ({
      %run_scoped3A = tpu.sem_alloc : memref<!tpu.dma_semaphore, #tpu.memory_space<semaphore_mem>>
      %dma_start3A_32 = arith.constant 0 : i32
      %dma_start3A_33 = tpu.memref_slice %arg6[%add3A, %dma_start3A_32] : memref<32x1024xi32, #tpu.memory_space<hbm>> -> memref<1x1024xi32, #tpu.memory_space<hbm>>
      %dma_start3A_34 = tpu.memref_squeeze %dma_start3A_33 : memref<1x1024xi32, #tpu.memory_space<hbm>> -> memref<1024xi32, #tpu.memory_space<hbm>>
      %dma_start3A_35 = arith.constant 0 : i32
      %dma_start3A_36 = tpu.memref_slice %arg6[%add3A, %dma_start3A_35] : memref<32x1024xi32, #tpu.memory_space<hbm>> -> memref<1x1024xi32, #tpu.memory_space<hbm>>
      %dma_start3A_37 = tpu.memref_squeeze %dma_start3A_36 : memref<1x1024xi32, #tpu.memory_space<hbm>> -> memref<1024xi32, #tpu.memory_space<hbm>>
      tpu.enqueue_dma source(%arg14 : memref<1024xi32, #tpu.memory_space<vmem>>) target(%dma_start3A_37 : memref<1024xi32, #tpu.memory_space<hbm>>) target_semaphore(%run_scoped3A : memref<!tpu.dma_semaphore, #tpu.memory_space<semaphore_mem>>)
      %dma_wait3A = arith.constant 0 : i32
      %dma_wait3A_38 = tpu.memref_slice %arg6[%add3A, %dma_wait3A] : memref<32x1024xi32, #tpu.memory_space<hbm>> -> memref<1x1024xi32, #tpu.memory_space<hbm>>
      %dma_wait3A_39 = tpu.memref_squeeze %dma_wait3A_38 : memref<1x1024xi32, #tpu.memory_space<hbm>> -> memref<1024xi32, #tpu.memory_space<hbm>>
      %dma_wait3A_40 = arith.constant 0 : i32
      %dma_wait3A_41 = tpu.memref_slice %arg6[%add3A, %dma_wait3A_40] : memref<32x1024xi32, #tpu.memory_space<hbm>> -> memref<1x1024xi32, #tpu.memory_space<hbm>>
      %dma_wait3A_42 = tpu.memref_squeeze %dma_wait3A_41 : memref<1x1024xi32, #tpu.memory_space<hbm>> -> memref<1024xi32, #tpu.memory_space<hbm>>
      tpu.wait_dma2 semaphore(%run_scoped3A : memref<!tpu.dma_semaphore, #tpu.memory_space<semaphore_mem>>) src(%arg14 : memref<1024xi32, #tpu.memory_space<vmem>>) dst(%dma_wait3A_42 : memref<1024xi32, #tpu.memory_space<hbm>>)
      tpu.yield
    }) : () -> ()
    return
  }
}

</mosaic_0001>

<sc_bundles>
// kernel: kernel.3.cloned.1.call-start
scs
__scs_entry_jumppad:
0x0: {  	(pc) =	sbr.rel $0x88, $3  }
0x1: {  	(tag) =	ssettag $0x0;
	lr =	simm.s32 $0x1  }
0x2: {  	[smem:$0x3F9C] =	sst lr;
	_ =	strace $0xD0000000  }
0x3: {  	_ = 	snop  }
0x4: {  	_ = 	snop  }
0x5: {  	_ = 	snop  }
0x6: {  	_ = 	snop  }
0x7: {  	_ = 	snop  }
__scs_overlays_trampoline_lowered:
0x8: {  	[smem:$0x3FAB] =	sst s0  }
0x9: {  	[smem:$0x3FAC] =	sst s1  }
0xa: {  	[smem:$0x3FAD] =	sst s2  }
0xb: {  	[smem:$0x3FAE] =	sst s3  }
0xc: {  	[smem:$0x3FAF] =	sst s4  }
0xd: {  	[smem:$0x3FB0] =	sst s5  }
0xe: {  	[smem:$0x3FB1] =	sst s6  }
0xf: {  	[smem:$0x3FB2] =	sst s7  }
0x10: {  	[smem:$0x3FB3] =	sst s8  }
0x11: {  	[smem:$0x3FB4] =	sst s9;
	s0 =	simm.s32 @!p0 $0x0  }
0x12: {  	s1 =	sld [smem:$0x3F9A];
	s0 =	simm.s32 @p0 $0x1  }
0x13: {  	[smem:$0x3FB5] =	sst s0;
	s0 =	simm.s32 @!p1 $0x0  }
0x14: {  	s2 =	sld [smem:$0x3F99];
	s0 =	simm.s32 @p1 $0x1  }
0x15: {  	[smem:$0x3FB6] =	sst s0;
	s0 =	simm.s32 @!p2 $0x0  }
0x16: {  	s3 =	sld [smem:$0x3FDB];
	s0 =	simm.s32 @p2 $0x1  }
0x17: {  	s4 =	simm.s32 $0x1BF5;
	[smem:$0x3FB8] =	sst s0  }
0x18: {  	s0 =	sld [smem:$0x3F9B];
	_ =	swait.ge [sflag:s4], $0x0  }
0x19: {  	s7 =	sld [smem:$0x3F9C]  }
0x1a: {  	s8 =	sadd.s32 $0xFFFFE003, lr  }
0x1b: {  	s9 =	sadd.s32 $0xFFFFFEF7, lr;
	s5 =	simm.s32 $0xFFFFFFFF;
	p2 =	slt.u32 s8, $0xFFFFF086  }
0x1c: {  	p1 =	slt.u32 s9, $0xF7A;
	s5 =	simm.s32 @!p2 $0x0  }
0x1d: {  	s5 =	simm.s32 @p1 $0x1;
	p0 =	seq.s32 s7, s2  }
0x1e: {  	s7 =	smul.u32 @!p0 $0xF7A, s2;
	p2 =	seq.s32 @!p0 s5, $0x0  }
0x1f: {  	s9 =	smul.u32 $0xF7A, s1;
	s8 =	simm.s32 @!p0 $0x1BF5;
	p2 =	por !p2, p0  }
0x20: {  	[sflag:s8] =	ssyncset.s32 @!p0 $0xFFFFF086;
	s6 =	sadd.s32 @!p0 s3, s7;
	s7 =	simm.s32 @!p0 $0x108  }
0x21: {  	s3 =	sadd.s32 s3, s9;
	s6 =	sadd.s32 @!p0 $0x88, s6;
	s7 =	simm.s32 @p2 $0x1082  }
0x22: {  	[simem:s7], [sflag:s8] =	dma.local @!p0 [hbm:s6], $0xF7A  }
0x23: {  	s9 =	sor.u32 $0xD0000000, s2;
	s6 =	simm.s32 $0x108;
	_ =	swait.ge @!p0 [sflag:s8], $0x0  }
0x24: {  	s3 =	sadd.s32 $0x88, s3;
	s6 =	simm.s32 @!p1 $0x1082;
	[sflag:s4] =	ssyncset.s32 $0xFFFFF086  }
0x25: {  	[simem:s6], [sflag:s4] =	dma.local [hbm:s3], $0xF7A  }
0x26: {  	[smem:$0x3F9C] =	sst s1;
	(tag) =	ssettag s2;
	_ =	strace s9  }
0x27: {  	s1 =	sld [smem:$0x3FAC]  }
0x28: {  	s2 =	sld [smem:$0x3FAD]  }
0x29: {  	s4 =	sld [smem:$0x3FAF]  }
0x2a: {  	p0 =	seq.s32 s5, $0x0;
	s5 =	sld [smem:$0x3FB0]  }
0x2b: {  	s6 =	sld [smem:$0x3FB1]  }
0x2c: {  	s7 =	sld [smem:$0x3FB2]  }
0x2d: {  	s3 =	simm.s32 $0x108;
	s8 =	sld [smem:$0x3FB3]  }
0x2e: {  	s3 =	simm.s32 @!p0 $0x1082;
	s9 =	sld [smem:$0x3FB4]  }
0x2f: {  	lr =	sadd.s32 s0, s3;
	s0 =	sld [smem:$0x3FAB]  }
0x30: {  	s3 =	sld [smem:$0x3FAE]  }
0x31: {  	[smem:$0x3FB7] =	sst s10  }
0x32: {  	s10 =	sld [smem:$0x3FB5];
	_ =	sdelay $0x3  }
0x33: {  	p0 =	seq.s32 s10, $0x1;
	s10 =	sld [smem:$0x3FB7];
	_ =	sdelay $0x3  }
0x34: {  	[smem:$0x3FB7] =	sst s10  }
0x35: {  	s10 =	sld [smem:$0x3FB6];
	_ =	sdelay $0x3  }
0x36: {  	p1 =	seq.s32 s10, $0x1;
	s10 =	sld [smem:$0x3FB7];
	_ =	sdelay $0x3  }
0x37: {  	[smem:$0x3FB7] =	sst s10  }
0x38: {  	s10 =	sld [smem:$0x3FB8]  }
0x39: {  	_ = 	snop;
	(pc) =	sbr.ind lr, $3  }
0x3a: {  	_ = 	snop  }
0x3b: {  	_ = 	snop  }
0x3c: {  	p2 =	seq.s32 s10, $0x1;
	s10 =	sld [smem:$0x3FB7]  }
0x3d: {  	_ =	shalt  }
0x3e: {  	_ =	shalt  }
0x3f: {  	_ =	shalt  }
0x40: {  	_ =	shalt  }
0x41: {  	_ =	shalt  }
0x42: {  	_ =	shalt  }
0x43: {  	_ =	shalt  }
0x44: {  	_ =	shalt  }
0x45: {  	_ =	shalt  }
0x46: {  	_ =	shalt  }
0x47: {  	_ =	shalt  }
0x48: {  	_ =	shalt  }
0x49: {  	_ =	shalt  }
0x4a: {  	_ =	shalt  }
0x4b: {  	_ =	shalt  }
0x4c: {  	_ =	shalt  }
0x4d: {  	_ =	shalt  }
0x4e: {  	_ =	shalt  }
0x4f: {  	_ =	shalt  }
0x50: {  	_ =	shalt  }
0x51: {  	_ =	shalt  }
0x52: {  	_ =	shalt  }
0x53: {  	_ =	shalt  }
0x54: {  	_ =	shalt  }
0x55: {  	_ =	shalt  }
0x56: {  	_ =	shalt  }
0x57: {  	_ =	shalt  }
0x58: {  	_ =	shalt  }
0x59: {  	_ =	shalt  }
0x5a: {  	_ =	shalt  }
0x5b: {  	_ =	shalt  }
0x5c: {  	_ =	shalt  }
0x5d: {  	_ =	shalt  }
0x5e: {  	_ =	shalt  }
0x5f: {  	_ =	shalt  }
0x60: {  	_ =	shalt  }
0x61: {  	_ =	shalt  }
0x62: {  	_ =	shalt  }
0x63: {  	_ =	shalt  }
0x64: {  	_ =	shalt  }
0x65: {  	_ =	shalt  }
0x66: {  	_ =	shalt  }
0x67: {  	_ =	shalt  }
0x68: {  	_ =	shalt  }
0x69: {  	_ =	shalt  }
0x6a: {  	_ =	shalt  }
0x6b: {  	_ =	shalt  }
0x6c: {  	_ =	shalt  }
0x6d: {  	_ =	shalt  }
0x6e: {  	_ =	shalt  }
0x6f: {  	_ =	shalt  }
0x70: {  	_ =	shalt  }
0x71: {  	_ =	shalt  }
0x72: {  	_ =	shalt  }
0x73: {  	_ =	shalt  }
0x74: {  	_ =	shalt  }
0x75: {  	_ =	shalt  }
0x76: {  	_ =	shalt  }
0x77: {  	_ =	shalt  }
0x78: {  	_ =	shalt  }
0x79: {  	_ =	shalt  }
0x7a: {  	_ =	shalt  }
0x7b: {  	_ =	shalt  }
0x7c: {  	_ =	shalt  }
0x7d: {  	_ =	shalt  }
0x7e: {  	_ =	shalt  }
0x7f: {  	_ =	shalt  }
0x80: {  	_ =	shalt  }
0x81: {  	_ =	shalt  }
0x82: {  	_ =	shalt  }
0x83: {  	_ =	shalt  }
0x84: {  	_ =	shalt  }
0x85: {  	_ =	shalt  }
0x86: {  	_ =	shalt  }
0x87: {  	_ =	shalt  }
.Lfunc_end0:
.L_simem_size_0:
called_computation_lowered:
.L_overlay_start_0:
0x88: {  	s2 =	sld [smem:$0x3FD9]  }
0x89: {  	s3 =	sld [smem:$0x3FFE];
	_ =	sdelay $0x1  }
0x8a: {  	s1 =	srdreg.scid  }
0x8b: {  	s0 =	sand.u32 $0x1, s1  }
0x8c: {  	s17 =	sshll.u32 s0, $0xA;
	s2 =	sadd.s32 s3, s2  }
0x8d: {  	s2 =	sadd.s32 s2, s17  }
0x8e: {  	[smem:$0x3FC3] =	sst s2  }
0x8f: {  	_ = 	snop  }
0x90: {  	s2 =	sld [smem:$0x3FC9]  }
0x91: {  	s18 =	sld [smem:$0x3FC8]  }
0x92: {  	s4 =	sld [smem:$0x3FC7];
	(tm) =	ssettm $0x1  }
0x93: {  	s5 =	sld [smem:$0x3FFB];
	_ =	sdelay $0x3  }
0x94: {  	_ =	strace s5  }
0x95: {  	s5 =	sld [smem:$0x3FFC];
	_ =	sdelay $0x3  }
0x96: {  	_ =	strace s5  }
0x97: {  	s5 =	sld [smem:$0x3FFD];
	_ =	sdelay $0x3  }
0x98: {  	_ =	strace s5  }
0x99: {  	_ =	strace $0x8FFFFFFF  }
0x9a: {  	s19 =	sld [smem:$0x3FDB];
	_ =	sdelay $0x1  }
0x9b: {  	s6 =	simm.s32 $_scs_section_size  }
0x9c: {  	s7 =	simm.s32 $_size__tile_overlayer_lowered;
	s8 =	simm.s32 $_tile_overlayer_lowered  }
0x9d: {  	s22 =	simm.s32 $0x1BFF;
	s21 =	sshll.u32 s8, $0x1;
	s5 =	sadd.s32 s6, s19  }
0x9e: {  	s9 =	simm.s32 $0x0;
	s20 =	sshll.u32 s7, $0x1;
	s7 =	sadd.s32 s21, s5  }
0x9f: {  	[timem:s9], [sflag:s22] =	dma.local [hbm:s7], s20  }
0xa0: {  	_ =	swait.ge [sflag:s22], s20  }
0xa1: {  	s6 =	ssub.s32 $0x0, s20;
	[sflag:s22] =	ssyncset.done $0x0  }
0xa2: {  	[sflag:s22] =	ssyncadd.s32 s6;
	_ =	sdelay $0x1  }
0xa3: {  	s23 =	simm.s32 $0x1B8B  }
0xa4: {  	_ =	swait.ge [sflag:s23], $0x1  }
0xa5: {  	[sflag:s23] =	ssyncset.done $0x0  }
0xa6: {  	s25 =	simm.s32 $0x1B8E;
	s24 =	sld [smem:$0x3FFE];
	[sflag:s23] =	ssyncadd.s32 $0xFFFFFFFF  }
0xa7: {  	s26 =	simm.s32 $execute0_lowered;
	[smem:$0x3FD2] =	sst s25  }
0xa8: {  	s7 =	sshll.u32 s26, $0x1;
	_ =	strace $0x80000046;
	[dreg:$0x1] =	wrdreg $0xFFFFFFFF  }
0xa9: {  	s28 =	simm.s32 $_size_execute0_lowered;
	s5 =	sadd.s32 s5, s7;
	[dreg:$0x0] =	wrdreg $0x0  }
0xaa: {  	s7 =	sshll.u32 s28, $0x1;
	[dreg:$0x2] =	wrdreg s5  }
0xab: {  	[dreg:$0x3] =	wrdreg s7  }
0xac: {  	[dreg:$0x4] =	wrdreg $0xC0  }
0xad: {  	_ =	task [dreg:s9], $0x5FFFF  }
0xae: {  	[dreg:$0x1] =	wrdreg $0xFFFFFFFF  }
0xaf: {  	[dreg:$0x0] =	wrdreg $0x60  }
0xb0: {  	[dreg:$0x2] =	wrdreg s2  }
0xb1: {  	[dreg:$0x3] =	wrdreg s18  }
0xb2: {  	[dreg:$0x4] =	wrdreg s4  }
0xb3: {  	[dreg:$0x5] =	wrdreg s24  }
0xb4: {  	[dreg:$0x6] =	wrdreg $0x9  }
0xb5: {  	_ =	task.clear_ibuf [dreg:s9], $0x7FFFF;
	_ =	strace $0x90000046  }
0xb6: {  	s29 =	simm.s32 $0x9;
	_ =	strace $0x80000048  }
0xb7: {  	_ =	swait.ge [sflag:s29], $0x1  }
0xb8: {  	[sflag:s29] =	ssyncadd.s32 $0xFFFFFFFF  }
0xb9: {  	_ =	strace $0x90000048  }
0xba: {  	_ =	sfence  }
0xbb: {  	s30 =	sld [smem:$0x0];
	_ =	sdelay $0x2  }
0xbc: {  	s31 =	sshll.u32 s1, $0xD;
	s1 =	sshrl.u32 s1, $0x2  }
0xbd: {  	s3 =	sand.u32 $0x4000, s31;
	s1 =	sadd.s32 s1, s30  }
0xbe: {  	s0 =	sor.u32 s3, s0;
	s1 =	sshll.u32 s1, $0x11  }
0xbf: {  	s0 =	sor.u32 s1, s0  }
0xc0: {  	s0 =	sadd.s32 $0x8F2B, s0  }
0xc1: {  	[sflag:s0] =	ssyncadd.remote.s32 $0x1  }
0xc2: {  	_ =	sfence.sel $0xFFFF  }
0xc3: {  	[dreg:$0x0] =	wrdreg $0xFFFFFFFF;
	(pc) =	sbr.abs _section_cstart, $3  }
0xc4: {  	[dreg:$0x1] =	wrdreg $0xFFFFFFFF  }
0xc5: {  	_ =	task.clear_ibuf [dreg:s9], $0x2FFFF;
	_ =	strace $0x9FFFFFFF  }
0xc6: {  	(tm) =	ssettm $0x7FFFFFFF  }
0xc7: {  	_ =	shalt  }
tec
execute0_lowered:
.L_overlay_start_1:
0x0: {  	(tag) =	ssettag $0x1  }
0x1: {  	s1 =	rddreg [dreg:$0x0]  }
0x2: {  	s0 =	srdreg.scid;
	s2 =	rddreg [dreg:$0x1]  }
0x3: {  	s8 =	stileid.u32;
	s4 =	rddreg [dreg:$0x2]  }
0x4: {  	s13 =	rddreg [dreg:$0x3];
	s5 =	simm.s32 $0x0;
	s22 =	simm.s32 $0x1  }
0x5: {  	s23 =	simm.s32 $0x1D700;
	s24 =	simm.s32 $0x1DB00;
	s25 =	simm.s32 $0x2  }
0x6: {  	s26 =	simm.s32 $0x80;
	s28 =	simm.s32 $0x400;
	s29 =	simm.s32 $0x3  }
0x7: {  	s30 =	simm.s32 $0x0;
	s0 =	sand.u32 $0x1, s0;
	s3 =	sshll.u32 s8, $0x1  }
0x8: {  	[smem:$0x7FF] =	sst s5;
	s10 =	sshll.u32 s8, $0x8;
	s3 =	sor.u32 s0, s3  }
0x9: {  	s0 =	ssub.s32 $0x2, s0;
	s14 =	smul.u32 $0x30D40, s3;
	s3 =	sshll.u32 s3, $0x4  }
0xa: {  	_ =	strace $0x80000047;
	s6 =	sshrl.u32 s0, $0x1;
	s3 =	sor.u32 s10, s3  }
0xb: {  	s0 =	ssub.s32 s0, s6;
	s9 =	sshrl.u32 s14, $0x3;
	s3 =	sand.u32 $0xC70, s3  }
0xc: {  	s12 =	sadd.s32 $0x9C40, s14;
	s14 =	sadd.s32 $0xEA60, s14;
	s16 =	smax.u32 s0, $0x1  }
0xd: {  	s6 =	sadd.s32 s1, s9;
	s7 =	sadd.s32 s2, s9;
	s11 =	sadd.s32 $0x9C4, s9  }
0xe: {  	v0 =	vimm.f32 $0.0e+00;
	s8 =	sadd.s32 s4, s9;
	s13 =	sadd.s32 s13, s3;
	s9 =	sadd.s32 s1, s11  }
0xf: {  	v1 =	vimm.s32 $0x0;
	v2 =	vlaneseq.u32;
	v3 =	vimm.s32 $0x10000;
	s10 =	sadd.s32 s2, s11;
	s11 =	sadd.s32 s4, s11;
	s15 =	sadd.s32 $0x1000, s13  }
.LBB2_1:
0x10: {  	s0 =	simm.s32 $0x40;
	s3 =	simm.s32 $0x0  }
.LBB2_2:
0x11: {  	p0 =	sne.s32 s0, $0xFC0;
	[tilespmem:s3+$0x1D700] =	vst v0;
	s17 =	smov.u32 s0;
	s0 =	sadd.s32 $0x40, s0  }
.Ltmp0:
0x12: {  	[tilespmem:s3+$0x1DB00] =	vst v1;
	(pc) =	sbr.rel @p0 .LBB2_2-.Ltmp0, $2  }
0x13: {  	_ =	sdelay $0x2  }
0x14: {  	s3 =	sshra.s32 s17, $0x2  }
0x15: {  	[tilespmem:s3+$0x1D700] =	vst v0  }
0x16: {  	[tilespmem:s3+$0x1DB00] =	vst v1  }
0x17: {  	[tilespmem:s30], [sflag:$0x1] =	stream.linear.gather [hbm4b:s6+s30], $0x4E20, $0x38;
	[tilespmem:$0x1DF00] =	vst v63  }
0x18: {  	s0 =	simm.s32 $0x4E80  }
0x19: {  	[tilespmem:s0], [sflag:$0x1] =	stream.linear.gather [hbm4b:s7+s30], $0x4E20, $0x38;
	[tilespmem:$0x1DF00] =	vst v63  }
0x1a: {  	s18 =	simm.s32 $0x9D00  }
0x1b: {  	[tilespmem:s18], [sflag:$0x1] =	stream.linear.gather [hbm4b:s8+s30], $0x4E20, $0x38;
	[tilespmem:$0x1DF00] =	vst v63  }
0x1c: {  	s19 =	simm.s32 $0xEB80  }
0x1d: {  	[tilespmem:s19], [sflag:$0x2] =	stream.linear.gather [hbm4b:s9+s30], $0x4E20, $0x38;
	[tilespmem:$0x1DF00] =	vst v63  }
0x1e: {  	s20 =	simm.s32 $0x13A00  }
0x1f: {  	[tilespmem:s20], [sflag:$0x2] =	stream.linear.gather [hbm4b:s10+s30], $0x4E20, $0x38;
	[tilespmem:$0x1DF00] =	vst v63  }
0x20: {  	s21 =	simm.s32 $0x18880;
	s31 =	simm.s32 $0x0  }
0x21: {  	[tilespmem:s21], [sflag:$0x2] =	stream.linear.gather [hbm4b:s11+s30], $0x4E20, $0x38;
	[tilespmem:$0x1DF00] =	vst v63  }
.LBB2_4:
0x22: {  	_ =	swait.ge [sflag:s22], $0x4E20  }
0x23: {  	[sflag:s22] =	ssyncset.done $0x0  }
0x24: {  	[sflag:s22] =	ssyncadd.s32 $0xFFFFB1E0  }
0x25: {  	_ =	swait.ge [sflag:s22], $0x4E20  }
0x26: {  	[sflag:s22] =	ssyncset.done $0x0  }
0x27: {  	[sflag:s22] =	ssyncadd.s32 $0xFFFFB1E0  }
0x28: {  	_ =	swait.ge [sflag:s22], $0x4E20  }
0x29: {  	[sflag:s22] =	ssyncset.done $0x0  }
0x2a: {  	s0 =	simm.s32 $0x50;
	[sflag:s22] =	ssyncadd.s32 $0xFFFFB1E0  }
0x2b: {  	v12 =	vld [tilespmem:s0+$0x40]  }
0x2c: {  	v11 =	vld [tilespmem:s0+$0xFFFFFFC0]  }
0x2d: {  	s17 =	sand.u32 $0x7FE0, s30;
	v10 =	vld [tilespmem:s0+$0xFFFFFFD0]  }
0x2e: {  	v14 =	vld [tilespmem:s17+$0x80]  }
0x2f: {  	v9 =	vld [tilespmem:s0+$0xFFFFFFE0]  }
0x30: {  	v7 =	vld [tilespmem:s0+$0xFFFFFFF0]  }
0x31: {  	v5 =	vld [tilespmem:s0+$0x0];
	_ =	sdelay $0x1  }
0x32: {  	v15 =	vand.u32 $0x7FFFFFFF, v12  }
0x33: {  	v8 =	vld [tilespmem:s0+$0x10];
	v4 =	vand.u32 $0x7FFFFFFF, v11;
	v17 =	vand.u32 $0x7FFFFFFF, v10;
	v19 =	vand.u32 $0x7FFFFFFF, v14  }
0x34: {  	v21 =	vand.u32 $0x7FFFFFFF, v9;
	v24 =	vand.u32 $0x7FFFFFFF, v7;
	v13 =	vsub.f32 $0.0e+00, v15  }
0x35: {  	v26 =	vand.u32 $0x7FFFFFFF, v5;
	v16 =	vsub.f32 $0.0e+00, v4;
	v4 =	vmul.f32 $5.000000000e-01, v4  }
0x36: {  	v20 =	vld [tilespmem:s0+$0xFFFFFFB0];
	v18 =	vsub.f32 $0.0e+00, v17;
	v22 =	vsub.f32 $0.0e+00, v19;
	v13 =	vmul.f32 $1.442695020e+00, v13  }
0x37: {  	v23 =	vsub.f32 $0.0e+00, v21;
	v17 =	vmul.f32 $5.000000000e-01, v17;
	v21 =	vmul.f32 $5.000000000e-01, v21  }
0x38: {  	v28 =	vand.u32 $0x7FFFFFFF, v8;
	v22 =	vmul.f32 $1.442695020e+00, v22;
	(erf) = vpow2.f32 v13  }
0x39: {  	v6 =	vld [tilespmem:s0+$0x20];
	v27 =	vsub.f32 $0.0e+00, v26;
	v26 =	vmul.f32 $5.000000000e-01, v26;
	v16 =	vmul.f32 $1.442695020e+00, v16  }
0x3a: {  	v25 =	vsub.f32 $0.0e+00, v24;
	v18 =	vmul.f32 $1.442695020e+00, v18;
	(erf) = vpow2.f32 v22  }
0x3b: {  	s0 =	simm.s32 $0x4ED0;
	v15 =	vmul.f32 $5.000000000e-01, v15;
	v22 =	vand.u32 $0x7FFFFFFF, v20;
	(erf) = vpow2.f32 v16  }
0x3c: {  	v19 =	vmul.f32 $5.000000000e-01, v19;
	v31 =	vsub.f32 $0.0e+00, v22;
	(erf) = vpow2.f32 v18;
	v18 =	vld [tilespmem:s0+$0x40]  }
0x3d: {  	v52 =	vld [tilespmem:s17+$0x4F00];
	v29 =	vsub.f32 $0.0e+00, v28;
	v28 =	vmul.f32 $5.000000000e-01, v28;
	v23 =	vmul.f32 $1.442695020e+00, v23  }
0x3e: {  	v25 =	vmul.f32 $1.442695020e+00, v25;
	v13 =	vand.u32 $0x7FFFFFFF, v6;
	v31 =	vmul.f32 $1.442695020e+00, v31  }
0x3f: {  	v49 =	vld [tilespmem:s0+$0x20];
	v27 =	vmul.f32 $1.442695020e+00, v27;
	v29 =	vmul.f32 $1.442695020e+00, v29;
	v30 =	vsub.f32 $0.0e+00, v13  }
0x40: {  	v16 =	vmul.f32 $5.000000000e-01, v22;
	(erf) = vpow2.f32 v31  }
0x41: {  	s3 =	simm.s32 $0x9D50;
	v54 =	vld [tilespmem:s17+$0x9D80];
	v30 =	vmul.f32 $1.442695020e+00, v30;
	v18 =	vadd.f32 $-5.000000000e-01, v18;
	v22 =	vpop (erf);
	(erf) = vpow2.f32 v23  }
0x42: {  	v31 =	vld [tilespmem:s3+$0x40];
	v23 =	vmul.f32 $5.000000000e-01, v24;
	v24 =	vadd.f32 $-5.000000000e-01, v52;
	v32 =	vmul.f32 $1.425179840e-01, v22  }
0x43: {  	(erf) = vpow2.f32 v25;
	v12 =	vmul.f32 v18, v12  }
0x44: {  	v60 =	vadd.f32 $-5.000000000e-01, v49;
	(erf) = vpow2.f32 v27;
	v27 =	vpop (erf);
	v14 =	vmul.f32 v24, v14  }
0x45: {  	v53 =	vadd.f32 $-4.446039800e-01, v32;
	v33 =	vmul.f32 $1.425179840e-01, v27;
	(erf) = vpow2.f32 v29  }
0x46: {  	v18 =	vpop (erf);
	v32 =	vshll.u32 v54, $0x4;
	v15 =	vsub.f32 v15, v12;
	vm0 =	vgt.f32 v12, $0.0e+00  }
0x47: {  	v12 =	vld [tilespmem:s0+$0xFFFFFFC0];
	(erf) = vpow2.f32 v30;
	v30 =	vshll.u32 v31, $0x4;
	v34 =	vmul.f32 $1.425179840e-01, v18  }
0x48: {  	v46 =	vld [tilespmem:s0+$0xFFFFFFF0];
	v32 =	vor.u32 v2, v32;
	v19 =	vsub.f32 v19, v14;
	vm15 =	vgt.f32 v14, $0.0e+00  }
0x49: {  	v31 =	vpop (erf);
	v14 =	vld [tilespmem:s0+$0xFFFFFFE0];
	v25 =	vmul.f32 v53, v22;
	v29 =	vadd.f32 $-4.446039800e-01, v33;
	v30 =	vor.u32 v2, v30  }
0x4a: {  	v47 =	vld [tilespmem:s0+$0x0];
	v36 =	vmul.f32 $1.425179840e-01, v31;
	v45 =	vsel vm15, $0x10001, v3;
	v55 =	vpop (erf);
	v34 =	vadd.f32 $-4.446039800e-01, v34  }
0x4b: {  	v25 =	vadd.f32 $9.972848890e-01, v25;
	v29 =	vmul.f32 v29, v27;
	v57 =	vmul.f32 $1.425179840e-01, v55  }
0x4c: {  	v36 =	vadd.f32 $-4.446039800e-01, v36;
	v34 =	vmul.f32 v34, v18;
	v12 =	vadd.f32 $-5.000000000e-01, v12  }
0x4d: {  	v22 =	vmul.f32 v25, v22;
	v29 =	vadd.f32 $9.972848890e-01, v29;
	v56 =	vpop (erf);
	v33 =	vadd.f32 $-4.446039800e-01, v57  }
0x4e: {  	v36 =	vmul.f32 v36, v31;
	v14 =	vadd.f32 $-5.000000000e-01, v14;
	v37 =	vmul.f32 $1.425179840e-01, v56  }
0x4f: {  	v35 =	vpop (erf);
	v58 =	vmul.f32 v12, v11;
	v11 =	vadd.f32 $-5.000000000e-01, v46;
	v12 =	vadd.f32 $-5.000000000e-01, v47  }
0x50: {  	v34 =	vadd.f32 $9.972848890e-01, v34;
	v27 =	vmul.f32 v29, v27;
	v39 =	vmul.f32 $1.425179840e-01, v35  }
0x51: {  	v22 =	vadd.f32 v22, v15;
	v33 =	vmul.f32 v33, v55;
	v9 =	vmul.f32 v14, v9  }
0x52: {  	v15 =	vld [tilespmem:s0+$0xFFFFFFB0];
	v36 =	vadd.f32 $9.972848890e-01, v36;
	v37 =	vadd.f32 $-4.446039800e-01, v37;
	v12 =	vmul.f32 v12, v5  }
0x53: {  	v4 =	vsub.f32 v4, v58;
	v18 =	vmul.f32 v34, v18;
	vm5 =	vgt.f32 v58, $0.0e+00;
	v29 =	vpop (erf)  }
0x54: {  	v40 =	vld [tilespmem:s0+$0xFFFFFFD0];
	v19 =	vadd.f32 v27, v19;
	v27 =	vsel vm0, $0x10001, v3;
	v38 =	vpop (erf);
	v42 =	vmul.f32 $1.425179840e-01, v29  }
0x55: {  	v39 =	vadd.f32 $-4.446039800e-01, v39;
	v33 =	vadd.f32 $9.972848890e-01, v33;
	v37 =	vmul.f32 v37, v56;
	v41 =	vpop (erf)  }
0x56: {  	v43 =	vmul.f32 $1.425179840e-01, v38;
	v44 =	vmul.f32 $1.425179840e-01, v41;
	v42 =	vadd.f32 $-4.446039800e-01, v42  }
0x57: {  	v48 =	vld [tilespmem:s0+$0x10];
	v61 =	vmul.f32 v36, v31;
	v15 =	vadd.f32 $-5.000000000e-01, v15;
	v37 =	vadd.f32 $9.972848890e-01, v37  }
0x58: {  	[tilespmem:v30+s23+$0x0] =	vst.idx.add.f32.msk $0xffff, v22;
	v39 =	vmul.f32 v39, v35;
	v43 =	vadd.f32 $-4.446039800e-01, v43;
	v44 =	vadd.f32 $-4.446039800e-01, v44  }
0x59: {  	[tilespmem:v30+s24+$0x0] =	vst.idx.add.s32.msk $0xffff, v27;
	v42 =	vmul.f32 v42, v29;
	v20 =	vmul.f32 v15, v20;
	v15 =	vadd.f32 $-5.000000000e-01, v40  }
0x5a: {  	v27 =	vsub.f32 v21, v9;
	v24 =	vmul.f32 v37, v56;
	v43 =	vmul.f32 v43, v38  }
0x5b: {  	v14 =	vld [tilespmem:s3+$0xFFFFFFB0];
	v26 =	vsub.f32 v26, v12;
	v44 =	vmul.f32 v44, v41;
	v59 =	vmul.f32 v15, v10  }
0x5c: {  	[tilespmem:v32+s23+$0x0] =	vst.idx.add.f32.msk $0xffff, v19;
	v10 =	vadd.f32 $-5.000000000e-01, v48;
	v15 =	vmul.f32 v11, v7;
	v7 =	vadd.f32 $9.972848890e-01, v39  }
0x5d: {  	v19 =	vld [tilespmem:s3+$0xFFFFFFC0];
	v22 =	vadd.f32 $9.972848890e-01, v42;
	v16 =	vsub.f32 v16, v20;
	v11 =	vmul.f32 v60, v6  }
0x5e: {  	v31 =	vld [tilespmem:s3+$0xFFFFFFD0];
	v6 =	vmul.f32 $5.000000000e-01, v13;
	v13 =	vmul.f32 v33, v55;
	vm4 =	vgt.f32 v20, $0.0e+00  }
0x5f: {  	[tilespmem:v32+s24+$0x0] =	vst.idx.add.s32.msk $0xffff, v45;
	v5 =	vadd.f32 $9.972848890e-01, v43;
	v10 =	vmul.f32 v10, v8;
	v8 =	vadd.f32 $9.972848890e-01, v44  }
0x60: {  	v62 =	vld [tilespmem:s3+$0xFFFFFFE0];
	v17 =	vsub.f32 v17, v59;
	v30 =	vmul.f32 v7, v35;
	v22 =	vmul.f32 v22, v29  }
0x61: {  	v32 =	vld [tilespmem:s3+$0x0];
	v23 =	vsub.f32 v23, v15;
	v7 =	vshll.u32 v14, $0x4;
	v21 =	vadd.f32 v13, v16  }
0x62: {  	v63 =	vsub.f32 v6, v11;
	v29 =	vld [tilespmem:s3+$0xFFFFFFF0];
	v16 =	vadd.f32 v18, v4;
	v13 =	vshll.u32 v19, $0x4  }
0x63: {  	v33 =	vld [tilespmem:s3+$0x10];
	v19 =	vadd.f32 v24, v27;
	v14 =	vshll.u32 v31, $0x4;
	v5 =	vmul.f32 v5, v38  }
0x64: {  	v8 =	vmul.f32 v8, v41;
	v28 =	vsub.f32 v28, v10;
	v20 =	vadd.f32 v61, v17;
	v17 =	vld [tilespmem:s3+$0x20]  }
0x65: {  	vm6 =	vgt.f32 v59, $0.0e+00;
	v18 =	vadd.f32 v30, v23;
	v6 =	vadd.f32 v22, v26  }
0x66: {  	s18 =	simm.s32 $0xF0;
	s19 =	simm.s32 $0x0;
	s17 =	simm.s32 $0x0;
	v22 =	vshll.u32 v62, $0x4;
	v5 =	vadd.f32 v5, v28;
	v4 =	vadd.f32 v8, v63  }
.LBB2_5:
0x67: {  	v30 =	vld [tilespmem:s18+$0x40];
	vm7 =	vgt.f32 v9, $0.0e+00;
	v23 =	vshll.u32 v29, $0x4;
	vm3 =	vgt.f32 v15, $0.0e+00  }
0x68: {  	v24 =	vshll.u32 v32, $0x4;
	vm2 =	vgt.f32 v12, $0.0e+00;
	v25 =	vshll.u32 v33, $0x4;
	s19 =	sadd.s32 $0xA0, s19;
	v8 =	vld [tilespmem:s18+$0xFFFFFFC0]  }
0x69: {  	vm1 =	vgt.f32 v10, $0.0e+00;
	v31 =	vshll.u32 v17, $0x4;
	vm0 =	vgt.f32 v11, $0.0e+00;
	s20 =	sand.u32 $0x7FE0, s19;
	v9 =	vld [tilespmem:s18+$0xFFFFFFD0]  }
0x6a: {  	s17 =	sadd.s32 $0xA, s17;
	v26 =	vor.u32 v2, v7;
	v27 =	vsel vm4, $0x10001, v3;
	v28 =	vor.u32 v2, v13;
	v29 =	vld [tilespmem:s20+$0x80]  }
0x6b: {  	v33 =	vsel vm5, $0x10001, v3;
	v34 =	vor.u32 v2, v14;
	v35 =	vsel vm6, $0x10001, v3;
	p0 =	slt.u32 s17, $0x4D8;
	v10 =	vld [tilespmem:s18+$0xFFFFFFE0]  }
0x6c: {  	v22 =	vor.u32 v2, v22;
	v37 =	vsel vm7, $0x10001, v3;
	v11 =	vld [tilespmem:s18+$0xFFFFFFF0];
	v36 =	vand.u32 $0x7FFFFFFF, v30  }
0x6d: {  	v15 =	vor.u32 v2, v23;
	v7 =	vand.u32 $0x7FFFFFFF, v8;
	v12 =	vld [tilespmem:s18+$0x0];
	v17 =	vsub.f32 $0.0e+00, v36  }
0x6e: {  	v23 =	vsub.f32 $0.0e+00, v7;
	v7 =	vmul.f32 $5.000000000e-01, v7;
	v38 =	vand.u32 $0x7FFFFFFF, v9;
	v14 =	vld [tilespmem:s18+$0x10]  }
0x6f: {  	v32 =	vsub.f32 $0.0e+00, v38;
	v13 =	vld [tilespmem:s18+$0x20];
	v39 =	vand.u32 $0x7FFFFFFF, v29;
	v40 =	vmul.f32 $1.442695020e+00, v17  }
0x70: {  	v17 =	vld [tilespmem:s18+$0xFFFFFFB0];
	v23 =	vmul.f32 $1.442695020e+00, v23;
	v41 =	vand.u32 $0x7FFFFFFF, v10;
	v42 =	vsub.f32 $0.0e+00, v39  }
0x71: {  	v43 =	vsub.f32 $0.0e+00, v41;
	v44 =	vand.u32 $0x7FFFFFFF, v11;
	(erf) = vpow2.f32 v40;
	[tilespmem:v26+s23+$0x0] =	vst.idx.add.f32.msk $0xffff, v21  }
0x72: {  	v21 =	vsub.f32 $0.0e+00, v44;
	v40 =	vand.u32 $0x7FFFFFFF, v12;
	v42 =	vmul.f32 $1.442695020e+00, v42;
	[tilespmem:v26+s24+$0x0] =	vst.idx.add.s32.msk $0xffff, v27  }
0x73: {  	v27 =	vmul.f32 $1.442695020e+00, v32;
	v26 =	vsub.f32 $0.0e+00, v40;
	v32 =	vand.u32 $0x7FFFFFFF, v14;
	[tilespmem:v28+s23+$0x0] =	vst.idx.add.f32.msk $0xffff, v16  }
0x74: {  	v45 =	vsub.f32 $0.0e+00, v32;
	v16 =	vand.u32 $0x7FFFFFFF, v13;
	(erf) = vpow2.f32 v42;
	[tilespmem:v28+s24+$0x0] =	vst.idx.add.s32.msk $0xffff, v33  }
0x75: {  	v33 =	vmul.f32 $1.442695020e+00, v43;
	v28 =	vand.u32 $0x7FFFFFFF, v17;
	v42 =	vsub.f32 $0.0e+00, v16;
	[tilespmem:v34+s23+$0x0] =	vst.idx.add.f32.msk $0xffff, v20  }
0x76: {  	v21 =	vmul.f32 $1.442695020e+00, v21;
	v43 =	vmul.f32 $1.442695020e+00, v26;
	v20 =	vsub.f32 $0.0e+00, v28;
	[tilespmem:v34+s24+$0x0] =	vst.idx.add.s32.msk $0xffff, v35  }
0x77: {  	v26 =	vsel vm3, $0x10001, v3;
	v34 =	vmul.f32 $1.442695020e+00, v45;
	v35 =	vmul.f32 $1.442695020e+00, v42;
	[tilespmem:v22+s23+$0x0] =	vst.idx.add.f32.msk $0xffff, v19  }
0x78: {  	v20 =	vmul.f32 $1.442695020e+00, v20;
	(erf) = vpow2.f32 v23;
	[tilespmem:v22+s24+$0x0] =	vst.idx.add.s32.msk $0xffff, v37;
	v22 =	vor.u32 v2, v24  }
0x79: {  	s0 =	sadd.s32 $0xA0, s0;
	v19 =	vmul.f32 $5.000000000e-01, v28;
	(erf) = vpow2.f32 v27;
	[tilespmem:v15+s23+$0x0] =	vst.idx.add.f32.msk $0xffff, v18;
	v27 =	vsel vm2, $0x10001, v3  }
0x7a: {  	s3 =	sadd.s32 $0xA0, s3;
	v23 =	vor.u32 v2, v25;
	v18 =	vmul.f32 $5.000000000e-01, v38;
	v24 =	vld [tilespmem:s0+$0x40];
	(erf) = vpow2.f32 v20;
	v37 =	vpop (erf)  }
0x7b: {  	v28 =	vsel vm1, $0x10001, v3;
	v38 =	vld [tilespmem:s3+$0x40];
	v42 =	vmul.f32 $1.425179840e-01, v37;
	(erf) = vpow2.f32 v33  }
0x7c: {  	v25 =	vor.u32 v2, v31;
	v20 =	vmul.f32 $5.000000000e-01, v41;
	v33 =	vld [tilespmem:s0+$0xFFFFFFB0];
	(erf) = vpow2.f32 v21  }
0x7d: {  	v21 =	vmul.f32 $5.000000000e-01, v44;
	v41 =	vld [tilespmem:s20+$0x4F00];
	v42 =	vadd.f32 $-4.446039800e-01, v42;
	(erf) = vpow2.f32 v43;
	v43 =	vpop (erf)  }
0x7e: {  	v31 =	vsel vm0, $0x10001, v3;
	v44 =	vld [tilespmem:s20+$0x9D80];
	v45 =	vmul.f32 $1.425179840e-01, v43;
	(erf) = vpow2.f32 v34  }
0x7f: {  	v34 =	vld [tilespmem:s0+$0xFFFFFFC0];
	v42 =	vmul.f32 v42, v37;
	v47 =	vadd.f32 $-5.000000000e-01, v24;
	(erf) = vpow2.f32 v35  }
0x80: {  	v24 =	vmul.f32 $5.000000000e-01, v40;
	v35 =	vld [tilespmem:s0+$0xFFFFFFD0];
	v40 =	vadd.f32 $-4.446039800e-01, v45;
	v38 =	vshll.u32 v38, $0x4  }
0x81: {  	v36 =	vmul.f32 $5.000000000e-01, v36;
	v45 =	vld [tilespmem:s0+$0xFFFFFFE0];
	v50 =	vadd.f32 $9.972848890e-01, v42;
	v30 =	vmul.f32 v47, v30;
	v46 =	vpop (erf)  }
0x82: {  	v38 =	vor.u32 v2, v38;
	v47 =	vld [tilespmem:s0+$0xFFFFFFF0];
	v40 =	vmul.f32 v40, v43;
	v51 =	vadd.f32 $-5.000000000e-01, v41;
	v48 =	vpop (erf)  }
0x83: {  	v49 =	vld [tilespmem:s0+$0x0];
	v44 =	vshll.u32 v44, $0x4;
	v36 =	vsub.f32 v36, v30;
	v56 =	vmul.f32 v50, v37;
	v42 =	vpop (erf)  }
0x84: {  	v39 =	vmul.f32 $5.000000000e-01, v39;
	v50 =	vld [tilespmem:s0+$0x10];
	v40 =	vadd.f32 $9.972848890e-01, v40;
	v29 =	vmul.f32 v51, v29;
	v41 =	vpop (erf)  }
0x85: {  	v52 =	vmul.f32 $1.425179840e-01, v46;
	v51 =	vmul.f32 $1.425179840e-01, v42;
	v44 =	vor.u32 v2, v44;
	v53 =	vld [tilespmem:s0+$0x20];
	v54 =	vpop (erf)  }
0x86: {  	v36 =	vadd.f32 v56, v36;
	v55 =	vld [tilespmem:s3+$0xFFFFFFB0];
	v39 =	vsub.f32 v39, v29;
	v59 =	vmul.f32 v40, v43;
	v37 =	vpop (erf)  }
0x87: {  	vm0 =	vgt.f32 v30, $0.0e+00;
	v56 =	vmul.f32 $1.425179840e-01, v48;
	v57 =	vmul.f32 $1.425179840e-01, v41;
	v43 =	vld [tilespmem:s3+$0xFFFFFFC0];
	v30 =	vpop (erf)  }
0x88: {  	v58 =	vmul.f32 $1.425179840e-01, v54;
	v39 =	vadd.f32 v59, v39;
	[tilespmem:v38+s23+$0x0] =	vst.idx.add.f32.msk $0xffff, v36;
	v36 =	vsel vm0, $0x10001, v3;
	v40 =	vpop (erf)  }
0x89: {  	v59 =	vmul.f32 $1.425179840e-01, v37;
	v60 =	vmul.f32 $1.425179840e-01, v30;
	vm0 =	vgt.f32 v29, $0.0e+00;
	[tilespmem:v38+s24+$0x0] =	vst.idx.add.s32.msk $0xffff, v36  }
0x8a: {  	v29 =	vadd.f32 $-4.446039800e-01, v51;
	v36 =	vmul.f32 $1.425179840e-01, v40;
	v38 =	vsel vm0, $0x10001, v3;
	[tilespmem:v44+s23+$0x0] =	vst.idx.add.f32.msk $0xffff, v39  }
0x8b: {  	v51 =	vadd.f32 $-4.446039800e-01, v56;
	v39 =	vadd.f32 $-4.446039800e-01, v52;
	v52 =	vmul.f32 $5.000000000e-01, v32;
	[tilespmem:v44+s24+$0x0] =	vst.idx.add.s32.msk $0xffff, v38  }
0x8c: {  	v32 =	vadd.f32 $-4.446039800e-01, v58;
	v38 =	vmul.f32 v29, v42;
	v29 =	vadd.f32 $-4.446039800e-01, v57;
	v44 =	vld [tilespmem:s3+$0xFFFFFFD0]  }
0x8d: {  	v58 =	vadd.f32 $-4.446039800e-01, v60;
	v57 =	vadd.f32 $-4.446039800e-01, v59;
	v39 =	vmul.f32 v39, v46;
	v56 =	vld [tilespmem:s3+$0xFFFFFFE0]  }
0x8e: {  	v51 =	vmul.f32 v51, v48;
	v36 =	vadd.f32 $-4.446039800e-01, v36;
	v59 =	vmul.f32 v29, v41;
	v29 =	vld [tilespmem:s3+$0xFFFFFFF0]  }
0x8f: {  	v60 =	vadd.f32 $-5.000000000e-01, v33;
	v61 =	vmul.f32 v32, v54;
	v57 =	vmul.f32 v57, v37;
	v32 =	vld [tilespmem:s3+$0x0]  }
0x90: {  	v34 =	vadd.f32 $-5.000000000e-01, v34;
	v58 =	vmul.f32 v58, v30;
	v36 =	vmul.f32 v36, v40;
	v33 =	vld [tilespmem:s3+$0x10]  }
0x91: {  	v35 =	vadd.f32 $-5.000000000e-01, v35;
	v45 =	vadd.f32 $-5.000000000e-01, v45;
	v60 =	vmul.f32 v60, v17;
	v17 =	vld [tilespmem:s3+$0x20]  }
0x92: {  	v8 =	vmul.f32 v34, v8;
	v34 =	vadd.f32 $-5.000000000e-01, v47;
	v47 =	vadd.f32 $-5.000000000e-01, v49;
	[tilespmem:v15+s24+$0x0] =	vst.idx.add.s32.msk $0xffff, v26  }
0x93: {  	v49 =	vadd.f32 $-5.000000000e-01, v53;
	v26 =	vmul.f32 v35, v9;
	v35 =	vadd.f32 $-5.000000000e-01, v50;
	[tilespmem:v22+s23+$0x0] =	vst.idx.add.f32.msk $0xffff, v6  }
0x94: {  	v9 =	vmul.f32 v45, v10;
	v6 =	vadd.f32 $9.972848890e-01, v38;
	v38 =	vadd.f32 $9.972848890e-01, v39;
	[tilespmem:v22+s24+$0x0] =	vst.idx.add.s32.msk $0xffff, v27  }
0x95: {  	v15 =	vmul.f32 v34, v11;
	v22 =	vadd.f32 $9.972848890e-01, v51;
	v27 =	vadd.f32 $9.972848890e-01, v59;
	[tilespmem:v23+s23+$0x0] =	vst.idx.add.f32.msk $0xffff, v5  }
0x96: {  	v12 =	vmul.f32 v47, v12;
	v34 =	vadd.f32 $9.972848890e-01, v57;
	v5 =	vadd.f32 $9.972848890e-01, v61;
	[tilespmem:v23+s24+$0x0] =	vst.idx.add.s32.msk $0xffff, v28  }
0x97: {  	v10 =	vmul.f32 v35, v14;
	v14 =	vadd.f32 $9.972848890e-01, v36;
	v23 =	vadd.f32 $9.972848890e-01, v58;
	[tilespmem:v25+s23+$0x0] =	vst.idx.add.f32.msk $0xffff, v4  }
0x98: {  	v11 =	vmul.f32 v49, v13;
	v13 =	vmul.f32 $5.000000000e-01, v16;
	v4 =	vsub.f32 v19, v60;
	[tilespmem:v25+s24+$0x0] =	vst.idx.add.s32.msk $0xffff, v31  }
0x99: {  	v16 =	vsub.f32 v7, v8;
	v6 =	vmul.f32 v6, v42;
	v19 =	vmul.f32 v38, v46  }
0x9a: {  	v18 =	vsub.f32 v18, v26;
	v22 =	vmul.f32 v22, v48;
	v25 =	vmul.f32 v27, v41  }
0x9b: {  	v28 =	vmul.f32 v34, v37;
	v5 =	vmul.f32 v5, v54;
	v27 =	vsub.f32 v20, v9  }
0x9c: {  	v31 =	vsub.f32 v21, v15;
	v23 =	vmul.f32 v23, v30;
	v30 =	vmul.f32 v14, v40  }
0x9d: {  	v24 =	vsub.f32 v24, v12;
	v7 =	vshll.u32 v55, $0x4;
	v34 =	vsub.f32 v52, v10  }
.Ltmp1:
0x9e: {  	vm4 =	vgt.f32 v60, $0.0e+00;
	v21 =	vadd.f32 v6, v4;
	v4 =	vsub.f32 v13, v11;
	(pc) =	sbr.rel @p0 .LBB2_5-.Ltmp1, $4  }
0x9f: {  	v20 =	vadd.f32 v22, v18;
	v16 =	vadd.f32 v19, v16;
	v13 =	vshll.u32 v43, $0x4  }
0xa0: {  	vm5 =	vgt.f32 v8, $0.0e+00;
	v19 =	vadd.f32 v25, v27;
	v18 =	vadd.f32 v5, v31  }
0xa1: {  	v14 =	vshll.u32 v44, $0x4;
	v6 =	vadd.f32 v28, v24;
	v5 =	vadd.f32 v23, v34  }
0xa2: {  	s18 =	sadd.s32 $0xA0, s18;
	vm6 =	vgt.f32 v26, $0.0e+00;
	v22 =	vshll.u32 v56, $0x4;
	v4 =	vadd.f32 v30, v4  }
0xa3: {  	v7 =	vor.u32 v2, v7  }
0xa4: {  	v8 =	vor.u32 v2, v13  }
0xa5: {  	v13 =	vor.u32 v2, v14  }
0xa6: {  	vm0 =	vgt.f32 v9, $0.0e+00;
	v9 =	vshll.u32 v33, $0x4  }
0xa7: {  	v9 =	vor.u32 v2, v9  }
0xa8: {  	[tilespmem:v7+s23+$0x0] =	vst.idx.add.f32.msk $0xffff, v21  }
0xa9: {  	[tilespmem:v8+s23+$0x0] =	vst.idx.add.f32.msk $0xffff, v16  }
0xaa: {  	v14 =	vsel vm4, $0x10001, v3;
	v21 =	vor.u32 v2, v22;
	[tilespmem:v13+s23+$0x0] =	vst.idx.add.f32.msk $0xffff, v20  }
0xab: {  	[tilespmem:v7+s24+$0x0] =	vst.idx.add.s32.msk $0xffff, v14;
	v7 =	vshll.u32 v29, $0x4  }
0xac: {  	v14 =	vsel vm5, $0x10001, v3;
	[tilespmem:v9+s23+$0x0] =	vst.idx.add.f32.msk $0xffff, v5;
	v7 =	vor.u32 v2, v7  }
0xad: {  	[tilespmem:v8+s24+$0x0] =	vst.idx.add.s32.msk $0xffff, v14;
	v8 =	vshll.u32 v32, $0x4;
	v14 =	vsel vm6, $0x10001, v3  }
0xae: {  	[tilespmem:v13+s24+$0x0] =	vst.idx.add.s32.msk $0xffff, v14;
	v8 =	vor.u32 v2, v8  }
0xaf: {  	v13 =	vsel vm0, $0x10001, v3;
	[tilespmem:v21+s23+$0x0] =	vst.idx.add.f32.msk $0xffff, v19  }
0xb0: {  	vm10 =	vgt.f32 v15, $0.0e+00;
	[tilespmem:v21+s24+$0x0] =	vst.idx.add.s32.msk $0xffff, v13;
	v13 =	vshll.u32 v17, $0x4  }
0xb1: {  	vm11 =	vgt.f32 v12, $0.0e+00;
	v14 =	vsel vm10, $0x10001, v3;
	[tilespmem:v7+s23+$0x0] =	vst.idx.add.f32.msk $0xffff, v18;
	v12 =	vor.u32 v2, v13  }
0xb2: {  	p0 =	seq.s32 s31, $0x4;
	[tilespmem:v7+s24+$0x0] =	vst.idx.add.s32.msk $0xffff, v14  }
0xb3: {  	vm12 =	vgt.f32 v10, $0.0e+00;
	s3 =	smul.u32 @!p0 $0x9C40, s31;
	v7 =	vsel vm11, $0x10001, v3;
	[tilespmem:v8+s23+$0x0] =	vst.idx.add.f32.msk $0xffff, v6  }
0xb4: {  	v6 =	vsel vm12, $0x10001, v3;
	[tilespmem:v8+s24+$0x0] =	vst.idx.add.s32.msk $0xffff, v7  }
0xb5: {  	vm13 =	vgt.f32 v11, $0.0e+00;
	s0 =	sadd.s32 @!p0 s3, s12;
	[tilespmem:v9+s24+$0x0] =	vst.idx.add.s32.msk $0xffff, v6  }
0xb6: {  	s0 =	sshrl.u32 @!p0 s0, $0x3;
	v5 =	vsel vm13, $0x10001, v3;
	[tilespmem:v12+s23+$0x0] =	vst.idx.add.f32.msk $0xffff, v4  }
0xb7: {  	s18 =	simm.s32 @!p0 $0x0;
	s17 =	sadd.s32 @!p0 s1, s0;
	[tilespmem:v12+s24+$0x0] =	vst.idx.add.s32.msk $0xffff, v5  }
0xb8: {  	[tilespmem:s18], [sflag:$0x1] =	stream.linear.gather @!p0 [hbm4b:s17+s18], $0x4E20, $0x38;
	[tilespmem:$0x1DF00] =	vst v63  }
0xb9: {  	s19 =	simm.s32 @!p0 $0x4E80;
	s17 =	sadd.s32 @!p0 s2, s0  }
0xba: {  	[tilespmem:s19], [sflag:$0x1] =	stream.linear.gather @!p0 [hbm4b:s17+s18], $0x4E20, $0x38;
	[tilespmem:$0x1DF00] =	vst v63  }
0xbb: {  	s0 =	sadd.s32 @!p0 s4, s0;
	s17 =	simm.s32 @!p0 $0x9D00  }
0xbc: {  	[tilespmem:s17], [sflag:$0x1] =	stream.linear.gather @!p0 [hbm4b:s0+s18], $0x4E20, $0x38;
	[tilespmem:$0x1DF00] =	vst v63  }
0xbd: {  	_ =	swait.ge [sflag:s25], $0x4E20  }
0xbe: {  	[sflag:s25] =	ssyncset.done $0x0  }
0xbf: {  	[sflag:s25] =	ssyncadd.s32 $0xFFFFB1E0  }
0xc0: {  	_ =	swait.ge [sflag:s25], $0x4E20  }
0xc1: {  	[sflag:s25] =	ssyncset.done $0x0  }
0xc2: {  	[sflag:s25] =	ssyncadd.s32 $0xFFFFB1E0  }
0xc3: {  	_ =	swait.ge [sflag:s25], $0x4E20  }
0xc4: {  	[sflag:s25] =	ssyncset.done $0x0  }
0xc5: {  	s20 =	simm.s32 $0xEBD0;
	[sflag:s25] =	ssyncadd.s32 $0xFFFFB1E0  }
0xc6: {  	v12 =	vld [tilespmem:s20+$0x40]  }
0xc7: {  	s0 =	simm.s32 $0x0;
	v11 =	vld [tilespmem:s20+$0xFFFFFFC0]  }
0xc8: {  	s21 =	sand.u32 $0x7FE0, s0;
	v10 =	vld [tilespmem:s20+$0xFFFFFFD0]  }
0xc9: {  	v14 =	vld [tilespmem:s21+$0xEC00]  }
0xca: {  	v9 =	vld [tilespmem:s20+$0xFFFFFFE0]  }
0xcb: {  	v7 =	vld [tilespmem:s20+$0xFFFFFFF0]  }
0xcc: {  	v5 =	vld [tilespmem:s20+$0x0]  }
0xcd: {  	v8 =	vld [tilespmem:s20+$0x10];
	_ =	sdelay $0x1  }
0xce: {  	v15 =	vand.u32 $0x7FFFFFFF, v12;
	v4 =	vand.u32 $0x7FFFFFFF, v11  }
0xcf: {  	v53 =	vld [tilespmem:s21+$0x18900];
	v17 =	vand.u32 $0x7FFFFFFF, v10;
	v19 =	vand.u32 $0x7FFFFFFF, v14;
	v21 =	vand.u32 $0x7FFFFFFF, v9  }
0xd0: {  	v24 =	vand.u32 $0x7FFFFFFF, v7;
	v26 =	vand.u32 $0x7FFFFFFF, v5;
	v13 =	vsub.f32 $0.0e+00, v15  }
0xd1: {  	v28 =	vand.u32 $0x7FFFFFFF, v8;
	v16 =	vsub.f32 $0.0e+00, v4;
	v4 =	vmul.f32 $5.000000000e-01, v4  }
0xd2: {  	v20 =	vld [tilespmem:s20+$0xFFFFFFB0];
	v18 =	vsub.f32 $0.0e+00, v17;
	v22 =	vsub.f32 $0.0e+00, v19;
	v13 =	vmul.f32 $1.442695020e+00, v13  }
0xd3: {  	v23 =	vsub.f32 $0.0e+00, v21;
	v17 =	vmul.f32 $5.000000000e-01, v17;
	v21 =	vmul.f32 $5.000000000e-01, v21  }
0xd4: {  	v32 =	vshll.u32 v53, $0x4;
	v22 =	vmul.f32 $1.442695020e+00, v22;
	(erf) = vpow2.f32 v13  }
0xd5: {  	v6 =	vld [tilespmem:s20+$0x20];
	v27 =	vsub.f32 $0.0e+00, v26;
	v26 =	vmul.f32 $5.000000000e-01, v26;
	v16 =	vmul.f32 $1.442695020e+00, v16  }
0xd6: {  	s17 =	simm.s32 $0x13A50;
	v25 =	vsub.f32 $0.0e+00, v24;
	v18 =	vmul.f32 $1.442695020e+00, v18;
	(erf) = vpow2.f32 v22  }
0xd7: {  	v49 =	vld [tilespmem:s17+$0x20];
	v15 =	vmul.f32 $5.000000000e-01, v15;
	v22 =	vand.u32 $0x7FFFFFFF, v20;
	(erf) = vpow2.f32 v16  }
0xd8: {  	v19 =	vmul.f32 $5.000000000e-01, v19;
	v31 =	vsub.f32 $0.0e+00, v22;
	(erf) = vpow2.f32 v18;
	v18 =	vld [tilespmem:s17+$0x40]  }
0xd9: {  	v51 =	vld [tilespmem:s21+$0x13A80];
	v29 =	vsub.f32 $0.0e+00, v28;
	v28 =	vmul.f32 $5.000000000e-01, v28;
	v23 =	vmul.f32 $1.442695020e+00, v23  }
0xda: {  	v25 =	vmul.f32 $1.442695020e+00, v25;
	v13 =	vand.u32 $0x7FFFFFFF, v6;
	v31 =	vmul.f32 $1.442695020e+00, v31  }
0xdb: {  	v27 =	vmul.f32 $1.442695020e+00, v27;
	v29 =	vmul.f32 $1.442695020e+00, v29;
	v30 =	vsub.f32 $0.0e+00, v13  }
0xdc: {  	s18 =	simm.s32 $0x188D0;
	v60 =	vadd.f32 $-5.000000000e-01, v49;
	v16 =	vmul.f32 $5.000000000e-01, v22;
	(erf) = vpow2.f32 v31  }
0xdd: {  	v30 =	vmul.f32 $1.442695020e+00, v30;
	v31 =	vld [tilespmem:s18+$0x40];
	v18 =	vadd.f32 $-5.000000000e-01, v18;
	v22 =	vpop (erf);
	(erf) = vpow2.f32 v23  }
0xde: {  	v23 =	vmul.f32 $5.000000000e-01, v24;
	v24 =	vadd.f32 $-5.000000000e-01, v51;
	v50 =	vmul.f32 $1.425179840e-01, v22  }
0xdf: {  	v32 =	vor.u32 v2, v32;
	(erf) = vpow2.f32 v25;
	v12 =	vmul.f32 v18, v12  }
0xe0: {  	(erf) = vpow2.f32 v27;
	v27 =	vpop (erf);
	v14 =	vmul.f32 v24, v14;
	v52 =	vadd.f32 $-4.446039800e-01, v50  }
0xe1: {  	v54 =	vmul.f32 $1.425179840e-01, v27;
	(erf) = vpow2.f32 v29;
	v15 =	vsub.f32 v15, v12  }
0xe2: {  	v18 =	vpop (erf);
	vm14 =	vgt.f32 v12, $0.0e+00;
	v12 =	vld [tilespmem:s17+$0xFFFFFFC0];
	(erf) = vpow2.f32 v30;
	v30 =	vshll.u32 v31, $0x4  }
0xe3: {  	v46 =	vld [tilespmem:s17+$0xFFFFFFF0];
	v34 =	vmul.f32 $1.425179840e-01, v18;
	v19 =	vsub.f32 v19, v14;
	vm15 =	vgt.f32 v14, $0.0e+00  }
0xe4: {  	v31 =	vpop (erf);
	v14 =	vld [tilespmem:s17+$0xFFFFFFE0];
	v25 =	vmul.f32 v52, v22;
	v29 =	vadd.f32 $-4.446039800e-01, v54;
	v30 =	vor.u32 v2, v30  }
0xe5: {  	v47 =	vld [tilespmem:s17+$0x0];
	v36 =	vmul.f32 $1.425179840e-01, v31;
	v45 =	vsel vm15, $0x10001, v3;
	v55 =	vpop (erf);
	v34 =	vadd.f32 $-4.446039800e-01, v34  }
0xe6: {  	v25 =	vadd.f32 $9.972848890e-01, v25;
	v29 =	vmul.f32 v29, v27;
	v57 =	vmul.f32 $1.425179840e-01, v55  }
0xe7: {  	v36 =	vadd.f32 $-4.446039800e-01, v36;
	v34 =	vmul.f32 v34, v18;
	v12 =	vadd.f32 $-5.000000000e-01, v12  }
0xe8: {  	v22 =	vmul.f32 v25, v22;
	v29 =	vadd.f32 $9.972848890e-01, v29;
	v56 =	vpop (erf);
	v33 =	vadd.f32 $-4.446039800e-01, v57  }
0xe9: {  	v36 =	vmul.f32 v36, v31;
	v14 =	vadd.f32 $-5.000000000e-01, v14;
	v37 =	vmul.f32 $1.425179840e-01, v56  }
0xea: {  	v35 =	vpop (erf);
	v58 =	vmul.f32 v12, v11;
	v11 =	vadd.f32 $-5.000000000e-01, v46;
	v12 =	vadd.f32 $-5.000000000e-01, v47  }
0xeb: {  	v34 =	vadd.f32 $9.972848890e-01, v34;
	v27 =	vmul.f32 v29, v27;
	v39 =	vmul.f32 $1.425179840e-01, v35  }
0xec: {  	v22 =	vadd.f32 v22, v15;
	v33 =	vmul.f32 v33, v55;
	v9 =	vmul.f32 v14, v9  }
0xed: {  	v15 =	vld [tilespmem:s17+$0xFFFFFFB0];
	v36 =	vadd.f32 $9.972848890e-01, v36;
	v37 =	vadd.f32 $-4.446039800e-01, v37;
	v12 =	vmul.f32 v12, v5  }
0xee: {  	v4 =	vsub.f32 v4, v58;
	v18 =	vmul.f32 v34, v18;
	vm5 =	vgt.f32 v58, $0.0e+00;
	v29 =	vpop (erf)  }
0xef: {  	v40 =	vld [tilespmem:s17+$0xFFFFFFD0];
	v19 =	vadd.f32 v27, v19;
	v27 =	vsel vm14, $0x10001, v3;
	v38 =	vpop (erf);
	v42 =	vmul.f32 $1.425179840e-01, v29  }
0xf0: {  	v39 =	vadd.f32 $-4.446039800e-01, v39;
	v33 =	vadd.f32 $9.972848890e-01, v33;
	v37 =	vmul.f32 v37, v56;
	v41 =	vpop (erf)  }
0xf1: {  	v43 =	vmul.f32 $1.425179840e-01, v38;
	v44 =	vmul.f32 $1.425179840e-01, v41;
	v42 =	vadd.f32 $-4.446039800e-01, v42  }
0xf2: {  	v48 =	vld [tilespmem:s17+$0x10];
	v61 =	vmul.f32 v36, v31;
	v15 =	vadd.f32 $-5.000000000e-01, v15;
	v37 =	vadd.f32 $9.972848890e-01, v37  }
0xf3: {  	[tilespmem:v30+s23+$0x0] =	vst.idx.add.f32.msk $0xffff, v22;
	v39 =	vmul.f32 v39, v35;
	v43 =	vadd.f32 $-4.446039800e-01, v43;
	v44 =	vadd.f32 $-4.446039800e-01, v44  }
0xf4: {  	[tilespmem:v30+s24+$0x0] =	vst.idx.add.s32.msk $0xffff, v27;
	v42 =	vmul.f32 v42, v29;
	v20 =	vmul.f32 v15, v20;
	v15 =	vadd.f32 $-5.000000000e-01, v40  }
0xf5: {  	v27 =	vsub.f32 v21, v9;
	v24 =	vmul.f32 v37, v56;
	v43 =	vmul.f32 v43, v38  }
0xf6: {  	v14 =	vld [tilespmem:s18+$0xFFFFFFB0];
	v26 =	vsub.f32 v26, v12;
	v44 =	vmul.f32 v44, v41;
	v59 =	vmul.f32 v15, v10  }
0xf7: {  	[tilespmem:v32+s23+$0x0] =	vst.idx.add.f32.msk $0xffff, v19;
	v10 =	vadd.f32 $-5.000000000e-01, v48;
	v15 =	vmul.f32 v11, v7;
	v7 =	vadd.f32 $9.972848890e-01, v39  }
0xf8: {  	v19 =	vld [tilespmem:s18+$0xFFFFFFC0];
	v22 =	vadd.f32 $9.972848890e-01, v42;
	v16 =	vsub.f32 v16, v20;
	v11 =	vmul.f32 v60, v6  }
0xf9: {  	v31 =	vld [tilespmem:s18+$0xFFFFFFD0];
	v6 =	vmul.f32 $5.000000000e-01, v13;
	v13 =	vmul.f32 v33, v55;
	vm4 =	vgt.f32 v20, $0.0e+00  }
0xfa: {  	[tilespmem:v32+s24+$0x0] =	vst.idx.add.s32.msk $0xffff, v45;
	v5 =	vadd.f32 $9.972848890e-01, v43;
	v10 =	vmul.f32 v10, v8;
	v8 =	vadd.f32 $9.972848890e-01, v44  }
0xfb: {  	v62 =	vld [tilespmem:s18+$0xFFFFFFE0];
	v17 =	vsub.f32 v17, v59;
	v30 =	vmul.f32 v7, v35;
	v22 =	vmul.f32 v22, v29  }
0xfc: {  	v32 =	vld [tilespmem:s18+$0x0];
	v23 =	vsub.f32 v23, v15;
	v7 =	vshll.u32 v14, $0x4;
	v21 =	vadd.f32 v13, v16  }
0xfd: {  	v63 =	vsub.f32 v6, v11;
	v29 =	vld [tilespmem:s18+$0xFFFFFFF0];
	v16 =	vadd.f32 v18, v4;
	v13 =	vshll.u32 v19, $0x4  }
0xfe: {  	v33 =	vld [tilespmem:s18+$0x10];
	v19 =	vadd.f32 v24, v27;
	v14 =	vshll.u32 v31, $0x4;
	v5 =	vmul.f32 v5, v38  }
0xff: {  	v8 =	vmul.f32 v8, v41;
	v28 =	vsub.f32 v28, v10;
	v20 =	vadd.f32 v61, v17;
	v17 =	vld [tilespmem:s18+$0x20]  }
0x100: {  	vm6 =	vgt.f32 v59, $0.0e+00;
	v18 =	vadd.f32 v30, v23;
	v6 =	vadd.f32 v22, v26  }
0x101: {  	s31 =	sadd.s32 $0x1, s31;
	s19 =	simm.s32 $0x0;
	s20 =	simm.s32 $0xEC70;
	v22 =	vshll.u32 v62, $0x4;
	v5 =	vadd.f32 v5, v28;
	v4 =	vadd.f32 v8, v63  }
.LBB2_7:
0x102: {  	v30 =	vld [tilespmem:s20+$0x40];
	vm7 =	vgt.f32 v9, $0.0e+00;
	v23 =	vshll.u32 v29, $0x4;
	vm3 =	vgt.f32 v15, $0.0e+00  }
0x103: {  	v24 =	vshll.u32 v32, $0x4;
	vm2 =	vgt.f32 v12, $0.0e+00;
	v25 =	vshll.u32 v33, $0x4;
	s0 =	sadd.s32 $0xA0, s0;
	v8 =	vld [tilespmem:s20+$0xFFFFFFC0]  }
0x104: {  	vm1 =	vgt.f32 v10, $0.0e+00;
	v31 =	vshll.u32 v17, $0x4;
	vm0 =	vgt.f32 v11, $0.0e+00;
	s21 =	sand.u32 $0x7FE0, s0;
	v9 =	vld [tilespmem:s20+$0xFFFFFFD0]  }
0x105: {  	s19 =	sadd.s32 $0xA, s19;
	v26 =	vor.u32 v2, v7;
	v27 =	vsel vm4, $0x10001, v3;
	v28 =	vor.u32 v2, v13;
	v29 =	vld [tilespmem:s21+$0xEC00]  }
0x106: {  	v33 =	vsel vm5, $0x10001, v3;
	v34 =	vor.u32 v2, v14;
	v35 =	vsel vm6, $0x10001, v3;
	p1 =	slt.u32 s19, $0x4D8;
	v10 =	vld [tilespmem:s20+$0xFFFFFFE0]  }
0x107: {  	v22 =	vor.u32 v2, v22;
	v37 =	vsel vm7, $0x10001, v3;
	v11 =	vld [tilespmem:s20+$0xFFFFFFF0];
	v36 =	vand.u32 $0x7FFFFFFF, v30  }
0x108: {  	v15 =	vor.u32 v2, v23;
	v7 =	vand.u32 $0x7FFFFFFF, v8;
	v12 =	vld [tilespmem:s20+$0x0];
	v17 =	vsub.f32 $0.0e+00, v36  }
0x109: {  	v23 =	vsub.f32 $0.0e+00, v7;
	v7 =	vmul.f32 $5.000000000e-01, v7;
	v38 =	vand.u32 $0x7FFFFFFF, v9;
	v14 =	vld [tilespmem:s20+$0x10]  }
0x10a: {  	v32 =	vsub.f32 $0.0e+00, v38;
	v13 =	vld [tilespmem:s20+$0x20];
	v39 =	vand.u32 $0x7FFFFFFF, v29;
	v40 =	vmul.f32 $1.442695020e+00, v17  }
0x10b: {  	v17 =	vld [tilespmem:s20+$0xFFFFFFB0];
	v23 =	vmul.f32 $1.442695020e+00, v23;
	v41 =	vand.u32 $0x7FFFFFFF, v10;
	v42 =	vsub.f32 $0.0e+00, v39  }
0x10c: {  	v43 =	vsub.f32 $0.0e+00, v41;
	v44 =	vand.u32 $0x7FFFFFFF, v11;
	(erf) = vpow2.f32 v40;
	[tilespmem:v26+s23+$0x0] =	vst.idx.add.f32.msk $0xffff, v21  }
0x10d: {  	v21 =	vsub.f32 $0.0e+00, v44;
	v40 =	vand.u32 $0x7FFFFFFF, v12;
	v42 =	vmul.f32 $1.442695020e+00, v42;
	[tilespmem:v26+s24+$0x0] =	vst.idx.add.s32.msk $0xffff, v27  }
0x10e: {  	v27 =	vmul.f32 $1.442695020e+00, v32;
	v26 =	vsub.f32 $0.0e+00, v40;
	v32 =	vand.u32 $0x7FFFFFFF, v14;
	[tilespmem:v28+s23+$0x0] =	vst.idx.add.f32.msk $0xffff, v16  }
0x10f: {  	v45 =	vsub.f32 $0.0e+00, v32;
	v16 =	vand.u32 $0x7FFFFFFF, v13;
	(erf) = vpow2.f32 v42;
	[tilespmem:v28+s24+$0x0] =	vst.idx.add.s32.msk $0xffff, v33  }
0x110: {  	v33 =	vmul.f32 $1.442695020e+00, v43;
	v28 =	vand.u32 $0x7FFFFFFF, v17;
	v42 =	vsub.f32 $0.0e+00, v16;
	[tilespmem:v34+s23+$0x0] =	vst.idx.add.f32.msk $0xffff, v20  }
0x111: {  	v21 =	vmul.f32 $1.442695020e+00, v21;
	v43 =	vmul.f32 $1.442695020e+00, v26;
	v20 =	vsub.f32 $0.0e+00, v28;
	[tilespmem:v34+s24+$0x0] =	vst.idx.add.s32.msk $0xffff, v35  }
0x112: {  	v26 =	vsel vm3, $0x10001, v3;
	v34 =	vmul.f32 $1.442695020e+00, v45;
	v35 =	vmul.f32 $1.442695020e+00, v42;
	[tilespmem:v22+s23+$0x0] =	vst.idx.add.f32.msk $0xffff, v19  }
0x113: {  	v20 =	vmul.f32 $1.442695020e+00, v20;
	(erf) = vpow2.f32 v23;
	[tilespmem:v22+s24+$0x0] =	vst.idx.add.s32.msk $0xffff, v37;
	v22 =	vor.u32 v2, v24  }
0x114: {  	s17 =	sadd.s32 $0xA0, s17;
	v19 =	vmul.f32 $5.000000000e-01, v28;
	(erf) = vpow2.f32 v27;
	[tilespmem:v15+s23+$0x0] =	vst.idx.add.f32.msk $0xffff, v18;
	v27 =	vsel vm2, $0x10001, v3  }
0x115: {  	s18 =	sadd.s32 $0xA0, s18;
	v23 =	vor.u32 v2, v25;
	v18 =	vmul.f32 $5.000000000e-01, v38;
	v24 =	vld [tilespmem:s17+$0x40];
	(erf) = vpow2.f32 v20;
	v37 =	vpop (erf)  }
0x116: {  	v28 =	vsel vm1, $0x10001, v3;
	v38 =	vld [tilespmem:s18+$0x40];
	v42 =	vmul.f32 $1.425179840e-01, v37;
	(erf) = vpow2.f32 v33  }
0x117: {  	v25 =	vor.u32 v2, v31;
	v20 =	vmul.f32 $5.000000000e-01, v41;
	v33 =	vld [tilespmem:s17+$0xFFFFFFB0];
	(erf) = vpow2.f32 v21  }
0x118: {  	v21 =	vmul.f32 $5.000000000e-01, v44;
	v41 =	vld [tilespmem:s21+$0x13A80];
	v42 =	vadd.f32 $-4.446039800e-01, v42;
	(erf) = vpow2.f32 v43;
	v43 =	vpop (erf)  }
0x119: {  	v31 =	vsel vm0, $0x10001, v3;
	v44 =	vld [tilespmem:s21+$0x18900];
	v45 =	vmul.f32 $1.425179840e-01, v43;
	(erf) = vpow2.f32 v34  }
0x11a: {  	v34 =	vld [tilespmem:s17+$0xFFFFFFC0];
	v42 =	vmul.f32 v42, v37;
	v47 =	vadd.f32 $-5.000000000e-01, v24;
	(erf) = vpow2.f32 v35  }
0x11b: {  	v24 =	vmul.f32 $5.000000000e-01, v40;
	v35 =	vld [tilespmem:s17+$0xFFFFFFD0];
	v40 =	vadd.f32 $-4.446039800e-01, v45;
	v38 =	vshll.u32 v38, $0x4  }
0x11c: {  	v36 =	vmul.f32 $5.000000000e-01, v36;
	v45 =	vld [tilespmem:s17+$0xFFFFFFE0];
	v50 =	vadd.f32 $9.972848890e-01, v42;
	v30 =	vmul.f32 v47, v30;
	v46 =	vpop (erf)  }
0x11d: {  	v38 =	vor.u32 v2, v38;
	v47 =	vld [tilespmem:s17+$0xFFFFFFF0];
	v40 =	vmul.f32 v40, v43;
	v51 =	vadd.f32 $-5.000000000e-01, v41;
	v48 =	vpop (erf)  }
0x11e: {  	v49 =	vld [tilespmem:s17+$0x0];
	v44 =	vshll.u32 v44, $0x4;
	v36 =	vsub.f32 v36, v30;
	v56 =	vmul.f32 v50, v37;
	v42 =	vpop (erf)  }
0x11f: {  	v39 =	vmul.f32 $5.000000000e-01, v39;
	v50 =	vld [tilespmem:s17+$0x10];
	v40 =	vadd.f32 $9.972848890e-01, v40;
	v29 =	vmul.f32 v51, v29;
	v41 =	vpop (erf)  }
0x120: {  	v52 =	vmul.f32 $1.425179840e-01, v46;
	v51 =	vmul.f32 $1.425179840e-01, v42;
	v44 =	vor.u32 v2, v44;
	v53 =	vld [tilespmem:s17+$0x20];
	v54 =	vpop (erf)  }
0x121: {  	v36 =	vadd.f32 v56, v36;
	v55 =	vld [tilespmem:s18+$0xFFFFFFB0];
	v39 =	vsub.f32 v39, v29;
	v59 =	vmul.f32 v40, v43;
	v37 =	vpop (erf)  }
0x122: {  	vm0 =	vgt.f32 v30, $0.0e+00;
	v56 =	vmul.f32 $1.425179840e-01, v48;
	v57 =	vmul.f32 $1.425179840e-01, v41;
	v43 =	vld [tilespmem:s18+$0xFFFFFFC0];
	v30 =	vpop (erf)  }
0x123: {  	v58 =	vmul.f32 $1.425179840e-01, v54;
	v39 =	vadd.f32 v59, v39;
	[tilespmem:v38+s23+$0x0] =	vst.idx.add.f32.msk $0xffff, v36;
	v36 =	vsel vm0, $0x10001, v3;
	v40 =	vpop (erf)  }
0x124: {  	v59 =	vmul.f32 $1.425179840e-01, v37;
	v60 =	vmul.f32 $1.425179840e-01, v30;
	vm0 =	vgt.f32 v29, $0.0e+00;
	[tilespmem:v38+s24+$0x0] =	vst.idx.add.s32.msk $0xffff, v36  }
0x125: {  	v29 =	vadd.f32 $-4.446039800e-01, v51;
	v36 =	vmul.f32 $1.425179840e-01, v40;
	v38 =	vsel vm0, $0x10001, v3;
	[tilespmem:v44+s23+$0x0] =	vst.idx.add.f32.msk $0xffff, v39  }
0x126: {  	v51 =	vadd.f32 $-4.446039800e-01, v56;
	v39 =	vadd.f32 $-4.446039800e-01, v52;
	v52 =	vmul.f32 $5.000000000e-01, v32;
	[tilespmem:v44+s24+$0x0] =	vst.idx.add.s32.msk $0xffff, v38  }
0x127: {  	v32 =	vadd.f32 $-4.446039800e-01, v58;
	v38 =	vmul.f32 v29, v42;
	v29 =	vadd.f32 $-4.446039800e-01, v57;
	v44 =	vld [tilespmem:s18+$0xFFFFFFD0]  }
0x128: {  	v58 =	vadd.f32 $-4.446039800e-01, v60;
	v57 =	vadd.f32 $-4.446039800e-01, v59;
	v39 =	vmul.f32 v39, v46;
	v56 =	vld [tilespmem:s18+$0xFFFFFFE0]  }
0x129: {  	v51 =	vmul.f32 v51, v48;
	v36 =	vadd.f32 $-4.446039800e-01, v36;
	v59 =	vmul.f32 v29, v41;
	v29 =	vld [tilespmem:s18+$0xFFFFFFF0]  }
0x12a: {  	v60 =	vadd.f32 $-5.000000000e-01, v33;
	v61 =	vmul.f32 v32, v54;
	v57 =	vmul.f32 v57, v37;
	v32 =	vld [tilespmem:s18+$0x0]  }
0x12b: {  	v34 =	vadd.f32 $-5.000000000e-01, v34;
	v58 =	vmul.f32 v58, v30;
	v36 =	vmul.f32 v36, v40;
	v33 =	vld [tilespmem:s18+$0x10]  }
0x12c: {  	v35 =	vadd.f32 $-5.000000000e-01, v35;
	v45 =	vadd.f32 $-5.000000000e-01, v45;
	v60 =	vmul.f32 v60, v17;
	v17 =	vld [tilespmem:s18+$0x20]  }
0x12d: {  	v8 =	vmul.f32 v34, v8;
	v34 =	vadd.f32 $-5.000000000e-01, v47;
	v47 =	vadd.f32 $-5.000000000e-01, v49;
	[tilespmem:v15+s24+$0x0] =	vst.idx.add.s32.msk $0xffff, v26  }
0x12e: {  	v49 =	vadd.f32 $-5.000000000e-01, v53;
	v26 =	vmul.f32 v35, v9;
	v35 =	vadd.f32 $-5.000000000e-01, v50;
	[tilespmem:v22+s23+$0x0] =	vst.idx.add.f32.msk $0xffff, v6  }
0x12f: {  	v9 =	vmul.f32 v45, v10;
	v6 =	vadd.f32 $9.972848890e-01, v38;
	v38 =	vadd.f32 $9.972848890e-01, v39;
	[tilespmem:v22+s24+$0x0] =	vst.idx.add.s32.msk $0xffff, v27  }
0x130: {  	v15 =	vmul.f32 v34, v11;
	v22 =	vadd.f32 $9.972848890e-01, v51;
	v27 =	vadd.f32 $9.972848890e-01, v59;
	[tilespmem:v23+s23+$0x0] =	vst.idx.add.f32.msk $0xffff, v5  }
0x131: {  	v12 =	vmul.f32 v47, v12;
	v34 =	vadd.f32 $9.972848890e-01, v57;
	v5 =	vadd.f32 $9.972848890e-01, v61;
	[tilespmem:v23+s24+$0x0] =	vst.idx.add.s32.msk $0xffff, v28  }
0x132: {  	v10 =	vmul.f32 v35, v14;
	v14 =	vadd.f32 $9.972848890e-01, v36;
	v23 =	vadd.f32 $9.972848890e-01, v58;
	[tilespmem:v25+s23+$0x0] =	vst.idx.add.f32.msk $0xffff, v4  }
0x133: {  	v11 =	vmul.f32 v49, v13;
	v13 =	vmul.f32 $5.000000000e-01, v16;
	v4 =	vsub.f32 v19, v60;
	[tilespmem:v25+s24+$0x0] =	vst.idx.add.s32.msk $0xffff, v31  }
0x134: {  	v16 =	vsub.f32 v7, v8;
	v6 =	vmul.f32 v6, v42;
	v19 =	vmul.f32 v38, v46  }
0x135: {  	v18 =	vsub.f32 v18, v26;
	v22 =	vmul.f32 v22, v48;
	v25 =	vmul.f32 v27, v41  }
0x136: {  	v28 =	vmul.f32 v34, v37;
	v5 =	vmul.f32 v5, v54;
	v27 =	vsub.f32 v20, v9  }
0x137: {  	v31 =	vsub.f32 v21, v15;
	v23 =	vmul.f32 v23, v30;
	v30 =	vmul.f32 v14, v40  }
0x138: {  	v24 =	vsub.f32 v24, v12;
	v7 =	vshll.u32 v55, $0x4;
	v34 =	vsub.f32 v52, v10  }
.Ltmp2:
0x139: {  	vm4 =	vgt.f32 v60, $0.0e+00;
	v21 =	vadd.f32 v6, v4;
	v4 =	vsub.f32 v13, v11;
	(pc) =	sbr.rel @p1 .LBB2_7-.Ltmp2, $4  }
0x13a: {  	v20 =	vadd.f32 v22, v18;
	v16 =	vadd.f32 v19, v16;
	v13 =	vshll.u32 v43, $0x4  }
0x13b: {  	vm5 =	vgt.f32 v8, $0.0e+00;
	v19 =	vadd.f32 v25, v27;
	v18 =	vadd.f32 v5, v31  }
0x13c: {  	v14 =	vshll.u32 v44, $0x4;
	v6 =	vadd.f32 v28, v24;
	v5 =	vadd.f32 v23, v34  }
0x13d: {  	s20 =	sadd.s32 $0xA0, s20;
	vm6 =	vgt.f32 v26, $0.0e+00;
	v22 =	vshll.u32 v56, $0x4;
	v4 =	vadd.f32 v30, v4  }
0x13e: {  	v7 =	vor.u32 v2, v7  }
0x13f: {  	v8 =	vor.u32 v2, v13  }
0x140: {  	v50 =	vor.u32 v2, v14  }
0x141: {  	v52 =	vor.u32 v2, v22;
	_ =	sdelay $0x1  }
0x142: {  	[tilespmem:v7+s23+$0x0] =	vst.idx.add.f32.msk $0xffff, v21  }
0x143: {  	[tilespmem:v8+s23+$0x0] =	vst.idx.add.f32.msk $0xffff, v16  }
0x144: {  	v51 =	vsel vm4, $0x10001, v3;
	v57 =	vshll.u32 v33, $0x4;
	[tilespmem:v50+s23+$0x0] =	vst.idx.add.f32.msk $0xffff, v20  }
0x145: {  	vm0 =	vgt.f32 v9, $0.0e+00;
	v59 =	vshll.u32 v17, $0x4;
	v9 =	vor.u32 v2, v57;
	[tilespmem:v52+s23+$0x0] =	vst.idx.add.f32.msk $0xffff, v19  }
0x146: {  	v54 =	vsel vm5, $0x10001, v3;
	v61 =	vor.u32 v2, v59;
	[tilespmem:v7+s24+$0x0] =	vst.idx.add.s32.msk $0xffff, v51  }
0x147: {  	v56 =	vsel vm6, $0x10001, v3;
	[tilespmem:v8+s24+$0x0] =	vst.idx.add.s32.msk $0xffff, v54  }
0x148: {  	v53 =	vshll.u32 v29, $0x4;
	v58 =	vsel vm0, $0x10001, v3;
	[tilespmem:v50+s24+$0x0] =	vst.idx.add.s32.msk $0xffff, v56  }
0x149: {  	v55 =	vshll.u32 v32, $0x4;
	v7 =	vor.u32 v2, v53;
	[tilespmem:v52+s24+$0x0] =	vst.idx.add.s32.msk $0xffff, v58  }
0x14a: {  	vm14 =	vgt.f32 v10, $0.0e+00;
	v8 =	vor.u32 v2, v55;
	[tilespmem:v9+s23+$0x0] =	vst.idx.add.f32.msk $0xffff, v5  }
0x14b: {  	vm15 =	vgt.f32 v11, $0.0e+00;
	v63 =	vsel vm14, $0x10001, v3;
	[tilespmem:v61+s23+$0x0] =	vst.idx.add.f32.msk $0xffff, v4  }
0x14c: {  	v5 =	vsel vm15, $0x10001, v3;
	[tilespmem:v9+s24+$0x0] =	vst.idx.add.s32.msk $0xffff, v63  }
0x14d: {  	[tilespmem:v61+s24+$0x0] =	vst.idx.add.s32.msk $0xffff, v5  }
0x14e: {  	vm12 =	vgt.f32 v15, $0.0e+00;
	[tilespmem:v7+s23+$0x0] =	vst.idx.add.f32.msk $0xffff, v18  }
0x14f: {  	vm13 =	vgt.f32 v12, $0.0e+00;
	s0 =	sadd.s32 @!p0 s3, s14;
	v60 =	vsel vm12, $0x10001, v3;
	[tilespmem:v8+s23+$0x0] =	vst.idx.add.f32.msk $0xffff, v6  }
0x150: {  	v62 =	vsel vm13, $0x10001, v3;
	s0 =	sshrl.u32 @!p0 s0, $0x3;
	[tilespmem:v7+s24+$0x0] =	vst.idx.add.s32.msk $0xffff, v60  }
0x151: {  	s17 =	simm.s32 @!p0 $0x0;
	s18 =	simm.s32 @!p0 $0xEB80;
	s3 =	sadd.s32 @!p0 s1, s0;
	[tilespmem:v8+s24+$0x0] =	vst.idx.add.s32.msk $0xffff, v62  }
0x152: {  	[tilespmem:s18], [sflag:$0x2] =	stream.linear.gather @!p0 [hbm4b:s3+s17], $0x4E20, $0x38;
	[tilespmem:$0x1DF00] =	vst v63  }
0x153: {  	s3 =	sadd.s32 @!p0 s2, s0;
	s18 =	simm.s32 @!p0 $0x13A00  }
0x154: {  	[tilespmem:s18], [sflag:$0x2] =	stream.linear.gather @!p0 [hbm4b:s3+s17], $0x4E20, $0x38;
	[tilespmem:$0x1DF00] =	vst v63  }
0x155: {  	p1 =	sne.s32 @!p0 s31, $0x5;
	s0 =	sadd.s32 @!p0 s4, s0;
	s3 =	simm.s32 @!p0 $0x18880  }
0x156: {  	[tilespmem:s3], [sflag:$0x2] =	stream.linear.gather @!p0 [hbm4b:s0+s17], $0x4E20, $0x38;
	[tilespmem:$0x1DF00] =	vst v63  }
0x157: {  	p0 =	por p0, !p1  }
.Ltmp3:
0x158: {  	_ = 	snop;
	(pc) =	sbr.rel @!p0 .LBB2_4-.Ltmp3, $1  }
0x159: {  	_ =	sdelay $0x3  }
0x15a: {  	[hbm4b:s13+s26] =	stream.strided.scatter [tilespmem:s23], [sflag:$0x3], $0x400, s28, s26, $0x38;
	[tilespmem:$0x1DF00] =	vst v63  }
0x15b: {  	s5 =	sadd.s32 $0x1, s5;
	_ =	swait.ge [sflag:s29], $0x400  }
0x15c: {  	p0 =	sne.s32 s5, s16;
	[sflag:s29] =	ssyncset.done $0x0  }
.Ltmp4:
0x15d: {  	[sflag:s29] =	ssyncadd.s32 $0xFFFFFC00;
	(pc) =	sbr.rel @p0 .LBB2_1-.Ltmp4, $4  }
0x15e: {  	[hbm4b:s15+s26] =	stream.strided.scatter [tilespmem:s24], [sflag:$0x3], $0x400, s28, s26, $0x38;
	[tilespmem:$0x1DF00] =	vst v63  }
0x15f: {  	_ =	swait.ge [sflag:s29], $0x400  }
0x160: {  	[sflag:s29] =	ssyncset.done $0x0  }
0x161: {  	[sflag:s29] =	ssyncadd.s32 $0xFFFFFC00  }
0x162: {  	_ =	sfence.sel $0x180000  }
0x163: {  	[bflag:$0x0] =	sbarrier.arrive $0xFFFF  }
0x164: {  	_ =	strace $0x90000047  }
0x165: {  	s0 =	stileid.u32;
	[bflag:$0x2] =	sbarrier.arrive $0xFFFF  }
0x166: {  	p0 =	sne.s32 s0, $0x0;
	s0 =	rddreg [dreg:$0x4]  }
0x167: {  	s0 =	sadd.s32 @!p0 $0x100000, s0  }
0x168: {  	[sflag:s0] =	ssyncadd.tile.s32 @!p0 $0x1;
	_ =	shalt  }
.Lfunc_end2:
_tile_overlayer_lowered:
.L_overlay_start_2:
0x169: {  	(tag) =	ssettag $0x2  }
0x16a: {  	s0 =	rddreg [dreg:$0x0];
	s2 =	stileid.u32  }
0x16b: {  	s1 =	rddreg [dreg:$0x1];
	p0 =	sne.s32 s2, $0x0  }
0x16c: {  	s3 =	rddreg [dreg:$0x2];
	[bflag:$0x3] =	sbarrier.arrive $0xFFFF;
	s2 =	simm.s32 @!p0 $0x1C03  }
0x16d: {  	[timem:s3], [sflag:s2] =	dma.local @!p0 [hbm:s0], s1  }
0x16e: {  	s0 =	simm.s32 @!p0 $0x3  }
0x16f: {  	_ =	swait.ge @!p0 [sflag:s0], s1  }
0x170: {  	s1 =	ssub.s32 @!p0 $0x0, s1;
	[sflag:s0] =	ssyncset.done @!p0 $0x0  }
0x171: {  	[sflag:s0] =	ssyncadd.s32 @!p0 s1  }
0x172: {  	[bflag:$0x3] =	sbarrier.arrive $0xFFFF  }
0x173: {  	_ =	shalt  }

</sc_bundles>
